<compile_context>
chip_gen: v7x
topology: tpu7x:2x2x1
jax: 0.10.2.dev20260603
libtpu: 0.0.44.dev20260713+nightly
codegen_flags: <defaults>
</compile_context>

<pallas_src>
import functools

import jax
import jax.numpy as jnp
from jax import lax
from jax.experimental import pallas as pl
from jax.experimental.pallas import tpu as pltpu
from jax.experimental.pallas import tpu_sc as plsc

B = 16384
D = 8
NF = 4
V = 1000
NW = 32
BPW = B // NW
L = 16
ENC_R = NF * D

_SC_MESH = plsc.VectorSubcoreMesh(core_axis_name="c", subcore_axis_name="s")


@functools.partial(
    pl.kernel,
    out_type=jax.ShapeDtypeStruct((ENC_R, B), jnp.float32),
    mesh=_SC_MESH,
    scratch_types=[
        pltpu.VMEM((V * D,), jnp.float32),
        pltpu.VMEM((NF * BPW,), jnp.int32),
        pltpu.VMEM((D, NF * BPW), jnp.float32),
        pltpu.SemaphoreType.DMA,
    ],
    compiler_params=pltpu.CompilerParams(needs_layout_passes=False),
)
def _sc_encode(xc_t, embs, enc_out, tab_v, idx_v, enc_v, sem):
    wid = lax.axis_index("s") * 2 + lax.axis_index("c")
    f = wid % NF
    sbase = (wid // NF) * (NF * BPW)
    copies = [
        pltpu.async_copy(embs.at[pl.ds(f * V * D, V * D)], tab_v, sem),
        pltpu.async_copy(xc_t.at[f, pl.ds(sbase, NF * BPW)], idx_v, sem),
    ]
    for cp in copies:
        cp.wait()

    half = NF * BPW // 2
    out_cps = []
    for h in range(2):
        @pl.loop(h * (half // L), (h + 1) * (half // L), unroll=8)
        def _(g):
            s = g * L
            idx8 = idx_v[pl.ds(s, L)] * D
            for j in range(D):
                enc_v[j, pl.ds(s, L)] = plsc.load_gather(tab_v, [idx8 + j])

        out_cps.append(pltpu.async_copy(
            enc_v.at[:, pl.ds(h * half, half)],
            enc_out.at[pl.ds(f * D, D), pl.ds(sbase + h * half, half)], sem))
    for cp in out_cps:
        cp.wait()


BM = 8192


def _mlp_body(enc_ref, xt_ref, w1e_ref, w1x_ref, b1_ref, w2_ref, b2_ref,
              w3_ref, b3_ref, o_ref):
    h = jnp.dot(w1e_ref[...], enc_ref[...], preferred_element_type=jnp.float32)
    h = h + jnp.dot(w1x_ref[...], xt_ref[...],
                    preferred_element_type=jnp.float32)
    h = jnp.maximum(h + b1_ref[...], 0.0)
    h = jnp.dot(w2_ref[...], h, preferred_element_type=jnp.float32)
    h = jnp.maximum(h + b2_ref[...], 0.0)
    o_ref[...] = (jnp.dot(w3_ref[...], h, preferred_element_type=jnp.float32)
                  + b3_ref[...])


_mlp = pl.pallas_call(
    _mlp_body,
    grid=(B // BM,),
    in_specs=[
        pl.BlockSpec((ENC_R, BM), lambda i: (0, i)),
        pl.BlockSpec((2, BM), lambda i: (0, i)),
        pl.BlockSpec((40, ENC_R), lambda i: (0, 0)),
        pl.BlockSpec((40, 2), lambda i: (0, 0)),
        pl.BlockSpec((40, 1), lambda i: (0, 0)),
        pl.BlockSpec((40, 40), lambda i: (0, 0)),
        pl.BlockSpec((40, 1), lambda i: (0, 0)),
        pl.BlockSpec((2, 40), lambda i: (0, 0)),
        pl.BlockSpec((2, 1), lambda i: (0, 0)),
    ],
    out_specs=pl.BlockSpec((2, BM), lambda i: (0, i)),
    out_shape=jax.ShapeDtypeStruct((2, B), jnp.float32),
)


def kernel(x, x_classes, emb0, emb1, emb2, emb3, W1, b1, W2, b2, W3, b3):
    xc_t = jnp.transpose(x_classes).astype(jnp.int32)
    embs = jnp.concatenate([emb0.reshape(-1), emb1.reshape(-1),
                            emb2.reshape(-1), emb3.reshape(-1)])
    enc = _sc_encode(xc_t, embs)
    yt = _mlp(enc, x.T, W1[2:].T, W1[:2].T, b1.reshape(-1, 1), W2.T,
              b2.reshape(-1, 1), W3.T, b3.reshape(-1, 1))
    return yt.T

# --- scband reference (transcript-rebuilt; emitter-appended) ---
"""Pipeline reference for scband-model-5815385718993 (READ-ONLY COPY).

The authoritative reference and input builder live on the scoring server;
editing this copy changes nothing except your own understanding.
"""

import jax, jax.numpy as jnp
import numpy as np

EMBEDDING_SIZE = 8
NUM_CLASSES = 1000
BATCH = 16384

def setup_inputs(seed: int = 0) -> dict:
    key = jax.random.key(seed)
    ks = jax.random.split(key, 12)
    x = jax.random.normal(ks[0], (BATCH, 2), dtype=jnp.float32)
    x_classes = jax.random.randint(ks[1], (BATCH, 4), 0, NUM_CLASSES, dtype=jnp.int64)
    emb0 = jax.random.normal(ks[2], (NUM_CLASSES, EMBEDDING_SIZE), dtype=jnp.float32)
    emb1 = jax.random.normal(ks[3], (NUM_CLASSES, EMBEDDING_SIZE), dtype=jnp.float32)
    emb2 = jax.random.normal(ks[4], (NUM_CLASSES, EMBEDDING_SIZE), dtype=jnp.float32)
    emb3 = jax.random.normal(ks[5], (NUM_CLASSES, EMBEDDING_SIZE), dtype=jnp.float32)
    d_in = 2 + EMBEDDING_SIZE * 4
    W1 = jax.random.normal(ks[6], (d_in, 40), dtype=jnp.float32) * (1.0 / np.sqrt(d_in))
    b1 = jnp.zeros((40,), dtype=jnp.float32)
    W2 = jax.random.normal(ks[7], (40, 40), dtype=jnp.float32) * (1.0 / np.sqrt(40))
    b2 = jnp.zeros((40,), dtype=jnp.float32)
    W3 = jax.random.normal(ks[8], (40, 2), dtype=jnp.float32) * (1.0 / np.sqrt(40))
    b3 = jnp.zeros((2,), dtype=jnp.float32)
    return {"x": x, "x_classes": x_classes, "emb0": emb0, "emb1": emb1, "emb2": emb2, "emb3": emb3, "W1": W1, "b1": b1, "W2": W2, "b2": b2, "W3": W3, "b3": b3}

def reference(x, x_classes, emb0, emb1, emb2, emb3, W1, b1, W2, b2, W3, b3):
    # embedding gathers (one table per categorical field)
    e0 = jnp.take(emb0, x_classes[:, 0], axis=0)
    e1 = jnp.take(emb1, x_classes[:, 1], axis=0)
    e2 = jnp.take(emb2, x_classes[:, 2], axis=0)
    e3 = jnp.take(emb3, x_classes[:, 3], axis=0)
    x_enc = jnp.concatenate([e0, e1, e2, e3], axis=-1)
    h = jnp.concatenate([x, x_enc], axis=-1)
    h = jax.nn.relu(h @ W1 + b1)
    h = jax.nn.relu(h @ W2 + b2)
    y_prim = h @ W3 + b3
    return y_prim

if __name__ == "__main__":
    import jax
    _d = setup_inputs()
    print(jax.jit(kernel)(*tuple(_d.values())))

</pallas_src>

<mosaic_0001>
#map = affine_map<(d0, d1) -> (0, 0)>
#map1 = affine_map<(d0, d1) -> (0)>
module attributes {stable_mosaic.version = 14 : i64} {
  func.func @_sc_encode(%arg0: i32, %arg1: i32, %arg2: memref<4x16384xi32, #tpu.memory_space<hbm>>, %arg3: memref<32000xf32, #tpu.memory_space<hbm>>, %arg4: memref<32x16384xf32, #tpu.memory_space<hbm>>, %arg5: memref<8000xf32, #tpu.memory_space<vmem>>, %arg6: memref<2048xi32, #tpu.memory_space<vmem>>, %arg7: memref<8x2048xf32, #tpu.memory_space<vmem>>, %arg8: memref<!tpu.dma_semaphore, #tpu.memory_space<semaphore_mem>>) attributes {dimension_semantics = [#tpu.dimension_semantics<core_parallel>, #tpu.dimension_semantics<subcore_parallel>], iteration_bounds = array<i64: 2, 16>, scalar_prefetch = 0 : i64, scratch_operands = 4 : i64, tpu.core_type = #tpu.core_type<sc_vector_subcore>, window_params = [{transform_indices = #map}, {transform_indices = #map1}, {transform_indices = #map}]} {
    %mul3A = arith.constant 2 : i32
    %mul3A_0 = arith.muli %arg1, %mul3A : i32
    %add3A = arith.addi %mul3A_0, %arg0 : i32
    %jit3A = arith.constant 4 : i32
    %eq3A = arith.constant 0 : i32
    %eq3A_1 = arith.cmpi eq, %jit3A, %eq3A : i32
    %jit3A_2 = arith.constant 1 : i32
    %select_n3A = arith.select %eq3A_1, %jit3A_2, %jit3A : i32
    %rem3A = arith.remsi %add3A, %select_n3A : i32
    %ne3A = arith.constant 0 : i32
    %ne3A_3 = arith.cmpi ne, %rem3A, %ne3A : i32
    %lt3A = arith.constant 0 : i32
    %lt3A_4 = arith.cmpi slt, %rem3A, %lt3A : i32
    %lt3A_5 = arith.constant 0 : i32
    %lt3A_6 = arith.cmpi slt, %select_n3A, %lt3A_5 : i32
    %ne3A_7 = arith.xori %lt3A_4, %lt3A_6 : i1
    %and3A = arith.andi %ne3A_7, %ne3A_3 : i1
    %add3A_8 = arith.addi %rem3A, %select_n3A : i32
    %select_n3A_9 = arith.select %and3A, %add3A_8, %rem3A : i32
    %jit3A_10 = arith.constant 4 : i32
    %div3A = arith.divsi %add3A, %jit3A_10 : i32
    %sign3A = arith.constant 0 : i32
    %sign3A_11 = arith.cmpi sgt, %add3A, %sign3A : i32
    %sign3A_12 = arith.extui %sign3A_11 : i1 to i32
    %sign3A_13 = arith.constant 0 : i32
    %sign3A_14 = arith.cmpi slt, %add3A, %sign3A_13 : i32
    %sign3A_15 = arith.extui %sign3A_14 : i1 to i32
    %sign3A_16 = arith.subi %sign3A_12, %sign3A_15 : i32
    %sign3A_17 = arith.constant 0 : i32
    %sign3A_18 = arith.cmpi sgt, %jit3A_10, %sign3A_17 : i32
    %sign3A_19 = arith.extui %sign3A_18 : i1 to i32
    %sign3A_20 = arith.constant 0 : i32
    %sign3A_21 = arith.cmpi slt, %jit3A_10, %sign3A_20 : i32
    %sign3A_22 = arith.extui %sign3A_21 : i1 to i32
    %sign3A_23 = arith.subi %sign3A_19, %sign3A_22 : i32
    %ne3A_24 = arith.cmpi ne, %sign3A_16, %sign3A_23 : i32
    %rem3A_25 = arith.remsi %add3A, %jit3A_10 : i32
    %ne3A_26 = arith.constant 0 : i32
    %ne3A_27 = arith.cmpi ne, %rem3A_25, %ne3A_26 : i32
    %and3A_28 = arith.andi %ne3A_24, %ne3A_27 : i1
    %sub3A = arith.constant 1 : i32
    %sub3A_29 = arith.subi %div3A, %sub3A : i32
    %select_n3A_30 = arith.select %and3A_28, %sub3A_29, %div3A : i32
    %mul3A_31 = arith.constant 2048 : i32
    %mul3A_32 = arith.muli %select_n3A_30, %mul3A_31 : i32
    %mul3A_33 = arith.constant 1000 : i32
    %mul3A_34 = arith.muli %select_n3A_9, %mul3A_33 : i32
    %mul3A_35 = arith.constant 8 : i32
    %mul3A_36 = arith.muli %mul3A_34, %mul3A_35 : i32
    %dma_start3A = tpu.memref_slice %arg3[%mul3A_36] : memref<32000xf32, #tpu.memory_space<hbm>> -> memref<8000xf32, #tpu.memory_space<hbm>>
    %dma_start3A_37 = tpu.memref_slice %arg3[%mul3A_36] : memref<32000xf32, #tpu.memory_space<hbm>> -> memref<8000xf32, #tpu.memory_space<hbm>>
    tpu.enqueue_dma source(%dma_start3A_37 : memref<8000xf32, #tpu.memory_space<hbm>>) target(%arg5 : memref<8000xf32, #tpu.memory_space<vmem>>) target_semaphore(%arg8 : memref<!tpu.dma_semaphore, #tpu.memory_space<semaphore_mem>>)
    %dma_start3A_38 = tpu.memref_slice %arg2[%select_n3A_9, %mul3A_32] : memref<4x16384xi32, #tpu.memory_space<hbm>> -> memref<1x2048xi32, #tpu.memory_space<hbm>>
    %dma_start3A_39 = tpu.memref_squeeze %dma_start3A_38 : memref<1x2048xi32, #tpu.memory_space<hbm>> -> memref<2048xi32, #tpu.memory_space<hbm>>
    %dma_start3A_40 = tpu.memref_slice %arg2[%select_n3A_9, %mul3A_32] : memref<4x16384xi32, #tpu.memory_space<hbm>> -> memref<1x2048xi32, #tpu.memory_space<hbm>>
    %dma_start3A_41 = tpu.memref_squeeze %dma_start3A_40 : memref<1x2048xi32, #tpu.memory_space<hbm>> -> memref<2048xi32, #tpu.memory_space<hbm>>
    tpu.enqueue_dma source(%dma_start3A_41 : memref<2048xi32, #tpu.memory_space<hbm>>) target(%arg6 : memref<2048xi32, #tpu.memory_space<vmem>>) target_semaphore(%arg8 : memref<!tpu.dma_semaphore, #tpu.memory_space<semaphore_mem>>)
    %dma_wait3A = tpu.memref_slice %arg3[%mul3A_36] : memref<32000xf32, #tpu.memory_space<hbm>> -> memref<8000xf32, #tpu.memory_space<hbm>>
    %dma_wait3A_42 = tpu.memref_slice %arg3[%mul3A_36] : memref<32000xf32, #tpu.memory_space<hbm>> -> memref<8000xf32, #tpu.memory_space<hbm>>
    tpu.wait_dma2 semaphore(%arg8 : memref<!tpu.dma_semaphore, #tpu.memory_space<semaphore_mem>>) src(%dma_wait3A_42 : memref<8000xf32, #tpu.memory_space<hbm>>) dst(%arg5 : memref<8000xf32, #tpu.memory_space<vmem>>)
    %dma_wait3A_43 = tpu.memref_slice %arg2[%select_n3A_9, %mul3A_32] : memref<4x16384xi32, #tpu.memory_space<hbm>> -> memref<1x2048xi32, #tpu.memory_space<hbm>>
    %dma_wait3A_44 = tpu.memref_squeeze %dma_wait3A_43 : memref<1x2048xi32, #tpu.memory_space<hbm>> -> memref<2048xi32, #tpu.memory_space<hbm>>
    %dma_wait3A_45 = tpu.memref_slice %arg2[%select_n3A_9, %mul3A_32] : memref<4x16384xi32, #tpu.memory_space<hbm>> -> memref<1x2048xi32, #tpu.memory_space<hbm>>
    %dma_wait3A_46 = tpu.memref_squeeze %dma_wait3A_45 : memref<1x2048xi32, #tpu.memory_space<hbm>> -> memref<2048xi32, #tpu.memory_space<hbm>>
    tpu.wait_dma2 semaphore(%arg8 : memref<!tpu.dma_semaphore, #tpu.memory_space<semaphore_mem>>) src(%dma_wait3A_46 : memref<2048xi32, #tpu.memory_space<hbm>>) dst(%arg6 : memref<2048xi32, #tpu.memory_space<vmem>>)
    %scan3A = arith.constant 0 : i32
    %scan3A_47 = arith.constant 64 : i32
    %scan3A_48 = arith.addi %scan3A, %scan3A_47 : i32
    %scan3A_49 = arith.constant 8 : i32
    scf.for %scan3A_96 = %scan3A to %scan3A_48 step %scan3A_49  : i32 {
      %mul3A_97 = arith.constant 1 : i32
      %mul3A_98 = arith.muli %scan3A_96, %mul3A_97 : i32
      %add3A_99 = arith.constant 0 : i32
      %add3A_100 = arith.addi %add3A_99, %mul3A_98 : i32
      %mul3A_101 = arith.constant 16 : i32
      %mul3A_102 = arith.muli %add3A_100, %mul3A_101 : i32
      %get3A = arith.index_cast %mul3A_102 : i32 to index
      %get3A_103 = tpu.vector_load %arg6[%get3A] {strides = array<i32>} : memref<2048xi32, #tpu.memory_space<vmem>>, vector<16xi32>,
      %mul3A_104 = arith.constant 8 : i32
      %mul3A_105 = vector.broadcast %mul3A_104 : i32 to vector<16xi32>
      %mul3A_106 = arith.muli %get3A_103, %mul3A_105 : vector<16xi32>
      %add3A_107 = arith.constant 0 : i32
      %add3A_108 = vector.broadcast %add3A_107 : i32 to vector<16xi32>
      %add3A_109 = arith.addi %mul3A_106, %add3A_108 : vector<16xi32>
      %gather3A = tpu.vector_load_idx %arg5[%add3A_109] : memref<8000xf32, #tpu.memory_space<vmem>>[vector<16xi32>], vector<16xf32>,
      %swap3A = arith.constant 0 : i32
      %swap3A_110 = arith.index_cast %swap3A : i32 to index
      %swap3A_111 = arith.index_cast %mul3A_102 : i32 to index
      %swap3A_112 = tpu.vector_load %arg7[%swap3A_110, %swap3A_111] {strides = array<i32>} : memref<8x2048xf32, #tpu.memory_space<vmem>>, vector<16xf32>,
      tpu.vector_store %arg7[%swap3A_110, %swap3A_111], %gather3A {strides = array<i32>} : memref<8x2048xf32, #tpu.memory_space<vmem>>, vector<16xf32>,
      %add3A_113 = arith.constant 1 : i32
      %add3A_114 = vector.broadcast %add3A_113 : i32 to vector<16xi32>
      %add3A_115 = arith.addi %mul3A_106, %add3A_114 : vector<16xi32>
      %gather3A_116 = tpu.vector_load_idx %arg5[%add3A_115] : memref<8000xf32, #tpu.memory_space<vmem>>[vector<16xi32>], vector<16xf32>,
      %swap3A_117 = arith.constant 1 : i32
      %swap3A_118 = arith.index_cast %swap3A_117 : i32 to index
      %swap3A_119 = arith.index_cast %mul3A_102 : i32 to index
      %swap3A_120 = tpu.vector_load %arg7[%swap3A_118, %swap3A_119] {strides = array<i32>} : memref<8x2048xf32, #tpu.memory_space<vmem>>, vector<16xf32>,
      tpu.vector_store %arg7[%swap3A_118, %swap3A_119], %gather3A_116 {strides = array<i32>} : memref<8x2048xf32, #tpu.memory_space<vmem>>, vector<16xf32>,
      %add3A_121 = arith.constant 2 : i32
      %add3A_122 = vector.broadcast %add3A_121 : i32 to vector<16xi32>
      %add3A_123 = arith.addi %mul3A_106, %add3A_122 : vector<16xi32>
      %gather3A_124 = tpu.vector_load_idx %arg5[%add3A_123] : memref<8000xf32, #tpu.memory_space<vmem>>[vector<16xi32>], vector<16xf32>,
      %swap3A_125 = arith.constant 2 : i32
      %swap3A_126 = arith.index_cast %swap3A_125 : i32 to index
      %swap3A_127 = arith.index_cast %mul3A_102 : i32 to index
      %swap3A_128 = tpu.vector_load %arg7[%swap3A_126, %swap3A_127] {strides = array<i32>} : memref<8x2048xf32, #tpu.memory_space<vmem>>, vector<16xf32>,
      tpu.vector_store %arg7[%swap3A_126, %swap3A_127], %gather3A_124 {strides = array<i32>} : memref<8x2048xf32, #tpu.memory_space<vmem>>, vector<16xf32>,
      %add3A_129 = arith.constant 3 : i32
      %add3A_130 = vector.broadcast %add3A_129 : i32 to vector<16xi32>
      %add3A_131 = arith.addi %mul3A_106, %add3A_130 : vector<16xi32>
      %gather3A_132 = tpu.vector_load_idx %arg5[%add3A_131] : memref<8000xf32, #tpu.memory_space<vmem>>[vector<16xi32>], vector<16xf32>,
      %swap3A_133 = arith.constant 3 : i32
      %swap3A_134 = arith.index_cast %swap3A_133 : i32 to index
      %swap3A_135 = arith.index_cast %mul3A_102 : i32 to index
      %swap3A_136 = tpu.vector_load %arg7[%swap3A_134, %swap3A_135] {strides = array<i32>} : memref<8x2048xf32, #tpu.memory_space<vmem>>, vector<16xf32>,
      tpu.vector_store %arg7[%swap3A_134, %swap3A_135], %gather3A_132 {strides = array<i32>} : memref<8x2048xf32, #tpu.memory_space<vmem>>, vector<16xf32>,
      %add3A_137 = arith.constant 4 : i32
      %add3A_138 = vector.broadcast %add3A_137 : i32 to vector<16xi32>
      %add3A_139 = arith.addi %mul3A_106, %add3A_138 : vector<16xi32>
      %gather3A_140 = tpu.vector_load_idx %arg5[%add3A_139] : memref<8000xf32, #tpu.memory_space<vmem>>[vector<16xi32>], vector<16xf32>,
      %swap3A_141 = arith.constant 4 : i32
      %swap3A_142 = arith.index_cast %swap3A_141 : i32 to index
      %swap3A_143 = arith.index_cast %mul3A_102 : i32 to index
      %swap3A_144 = tpu.vector_load %arg7[%swap3A_142, %swap3A_143] {strides = array<i32>} : memref<8x2048xf32, #tpu.memory_space<vmem>>, vector<16xf32>,
      tpu.vector_store %arg7[%swap3A_142, %swap3A_143], %gather3A_140 {strides = array<i32>} : memref<8x2048xf32, #tpu.memory_space<vmem>>, vector<16xf32>,
      %add3A_145 = arith.constant 5 : i32
      %add3A_146 = vector.broadcast %add3A_145 : i32 to vector<16xi32>
      %add3A_147 = arith.addi %mul3A_106, %add3A_146 : vector<16xi32>
      %gather3A_148 = tpu.vector_load_idx %arg5[%add3A_147] : memref<8000xf32, #tpu.memory_space<vmem>>[vector<16xi32>], vector<16xf32>,
      %swap3A_149 = arith.constant 5 : i32
      %swap3A_150 = arith.index_cast %swap3A_149 : i32 to index
      %swap3A_151 = arith.index_cast %mul3A_102 : i32 to index
      %swap3A_152 = tpu.vector_load %arg7[%swap3A_150, %swap3A_151] {strides = array<i32>} : memref<8x2048xf32, #tpu.memory_space<vmem>>, vector<16xf32>,
      tpu.vector_store %arg7[%swap3A_150, %swap3A_151], %gather3A_148 {strides = array<i32>} : memref<8x2048xf32, #tpu.memory_space<vmem>>, vector<16xf32>,
      %add3A_153 = arith.constant 6 : i32
      %add3A_154 = vector.broadcast %add3A_153 : i32 to vector<16xi32>
      %add3A_155 = arith.addi %mul3A_106, %add3A_154 : vector<16xi32>
      %gather3A_156 = tpu.vector_load_idx %arg5[%add3A_155] : memref<8000xf32, #tpu.memory_space<vmem>>[vector<16xi32>], vector<16xf32>,
      %swap3A_157 = arith.constant 6 : i32
      %swap3A_158 = arith.index_cast %swap3A_157 : i32 to index
      %swap3A_159 = arith.index_cast %mul3A_102 : i32 to index
      %swap3A_160 = tpu.vector_load %arg7[%swap3A_158, %swap3A_159] {strides = array<i32>} : memref<8x2048xf32, #tpu.memory_space<vmem>>, vector<16xf32>,
      tpu.vector_store %arg7[%swap3A_158, %swap3A_159], %gather3A_156 {strides = array<i32>} : memref<8x2048xf32, #tpu.memory_space<vmem>>, vector<16xf32>,
      %add3A_161 = arith.constant 7 : i32
      %add3A_162 = vector.broadcast %add3A_161 : i32 to vector<16xi32>
      %add3A_163 = arith.addi %mul3A_106, %add3A_162 : vector<16xi32>
      %gather3A_164 = tpu.vector_load_idx %arg5[%add3A_163] : memref<8000xf32, #tpu.memory_space<vmem>>[vector<16xi32>], vector<16xf32>,
      %swap3A_165 = arith.constant 7 : i32
      %swap3A_166 = arith.index_cast %swap3A_165 : i32 to index
      %swap3A_167 = arith.index_cast %mul3A_102 : i32 to index
      %swap3A_168 = tpu.vector_load %arg7[%swap3A_166, %swap3A_167] {strides = array<i32>} : memref<8x2048xf32, #tpu.memory_space<vmem>>, vector<16xf32>,
      tpu.vector_store %arg7[%swap3A_166, %swap3A_167], %gather3A_164 {strides = array<i32>} : memref<8x2048xf32, #tpu.memory_space<vmem>>, vector<16xf32>,
      %scan3A_169 = arith.constant 1 : i32
      %scan3A_170 = arith.addi %scan3A_96, %scan3A_169 : i32
      %mul3A_171 = arith.constant 1 : i32
      %mul3A_172 = arith.muli %scan3A_170, %mul3A_171 : i32
      %add3A_173 = arith.constant 0 : i32
      %add3A_174 = arith.addi %add3A_173, %mul3A_172 : i32
      %mul3A_175 = arith.constant 16 : i32
      %mul3A_176 = arith.muli %add3A_174, %mul3A_175 : i32
      %get3A_177 = arith.index_cast %mul3A_176 : i32 to index
      %get3A_178 = tpu.vector_load %arg6[%get3A_177] {strides = array<i32>} : memref<2048xi32, #tpu.memory_space<vmem>>, vector<16xi32>,
      %mul3A_179 = arith.constant 8 : i32
      %mul3A_180 = vector.broadcast %mul3A_179 : i32 to vector<16xi32>
      %mul3A_181 = arith.muli %get3A_178, %mul3A_180 : vector<16xi32>
      %add3A_182 = arith.constant 0 : i32
      %add3A_183 = vector.broadcast %add3A_182 : i32 to vector<16xi32>
      %add3A_184 = arith.addi %mul3A_181, %add3A_183 : vector<16xi32>
      %gather3A_185 = tpu.vector_load_idx %arg5[%add3A_184] : memref<8000xf32, #tpu.memory_space<vmem>>[vector<16xi32>], vector<16xf32>,
      %swap3A_186 = arith.constant 0 : i32
      %swap3A_187 = arith.index_cast %swap3A_186 : i32 to index
      %swap3A_188 = arith.index_cast %mul3A_176 : i32 to index
      %swap3A_189 = tpu.vector_load %arg7[%swap3A_187, %swap3A_188] {strides = array<i32>} : memref<8x2048xf32, #tpu.memory_space<vmem>>, vector<16xf32>,
      tpu.vector_store %arg7[%swap3A_187, %swap3A_188], %gather3A_185 {strides = array<i32>} : memref<8x2048xf32, #tpu.memory_space<vmem>>, vector<16xf32>,
      %add3A_190 = arith.constant 1 : i32
      %add3A_191 = vector.broadcast %add3A_190 : i32 to vector<16xi32>
      %add3A_192 = arith.addi %mul3A_181, %add3A_191 : vector<16xi32>
      %gather3A_193 = tpu.vector_load_idx %arg5[%add3A_192] : memref<8000xf32, #tpu.memory_space<vmem>>[vector<16xi32>], vector<16xf32>,
      %swap3A_194 = arith.constant 1 : i32
      %swap3A_195 = arith.index_cast %swap3A_194 : i32 to index
      %swap3A_196 = arith.index_cast %mul3A_176 : i32 to index
      %swap3A_197 = tpu.vector_load %arg7[%swap3A_195, %swap3A_196] {strides = array<i32>} : memref<8x2048xf32, #tpu.memory_space<vmem>>, vector<16xf32>,
      tpu.vector_store %arg7[%swap3A_195, %swap3A_196], %gather3A_193 {strides = array<i32>} : memref<8x2048xf32, #tpu.memory_space<vmem>>, vector<16xf32>,
      %add3A_198 = arith.constant 2 : i32
      %add3A_199 = vector.broadcast %add3A_198 : i32 to vector<16xi32>
      %add3A_200 = arith.addi %mul3A_181, %add3A_199 : vector<16xi32>
      %gather3A_201 = tpu.vector_load_idx %arg5[%add3A_200] : memref<8000xf32, #tpu.memory_space<vmem>>[vector<16xi32>], vector<16xf32>,
      %swap3A_202 = arith.constant 2 : i32
      %swap3A_203 = arith.index_cast %swap3A_202 : i32 to index
      %swap3A_204 = arith.index_cast %mul3A_176 : i32 to index
      %swap3A_205 = tpu.vector_load %arg7[%swap3A_203, %swap3A_204] {strides = array<i32>} : memref<8x2048xf32, #tpu.memory_space<vmem>>, vector<16xf32>,
      tpu.vector_store %arg7[%swap3A_203, %swap3A_204], %gather3A_201 {strides = array<i32>} : memref<8x2048xf32, #tpu.memory_space<vmem>>, vector<16xf32>,
      %add3A_206 = arith.constant 3 : i32
      %add3A_207 = vector.broadcast %add3A_206 : i32 to vector<16xi32>
      %add3A_208 = arith.addi %mul3A_181, %add3A_207 : vector<16xi32>
      %gather3A_209 = tpu.vector_load_idx %arg5[%add3A_208] : memref<8000xf32, #tpu.memory_space<vmem>>[vector<16xi32>], vector<16xf32>,
      %swap3A_210 = arith.constant 3 : i32
      %swap3A_211 = arith.index_cast %swap3A_210 : i32 to index
      %swap3A_212 = arith.index_cast %mul3A_176 : i32 to index
      %swap3A_213 = tpu.vector_load %arg7[%swap3A_211, %swap3A_212] {strides = array<i32>} : memref<8x2048xf32, #tpu.memory_space<vmem>>, vector<16xf32>,
      tpu.vector_store %arg7[%swap3A_211, %swap3A_212], %gather3A_209 {strides = array<i32>} : memref<8x2048xf32, #tpu.memory_space<vmem>>, vector<16xf32>,
      %add3A_214 = arith.constant 4 : i32
      %add3A_215 = vector.broadcast %add3A_214 : i32 to vector<16xi32>
      %add3A_216 = arith.addi %mul3A_181, %add3A_215 : vector<16xi32>
      %gather3A_217 = tpu.vector_load_idx %arg5[%add3A_216] : memref<8000xf32, #tpu.memory_space<vmem>>[vector<16xi32>], vector<16xf32>,
      %swap3A_218 = arith.constant 4 : i32
      %swap3A_219 = arith.index_cast %swap3A_218 : i32 to index
      %swap3A_220 = arith.index_cast %mul3A_176 : i32 to index
      %swap3A_221 = tpu.vector_load %arg7[%swap3A_219, %swap3A_220] {strides = array<i32>} : memref<8x2048xf32, #tpu.memory_space<vmem>>, vector<16xf32>,
      tpu.vector_store %arg7[%swap3A_219, %swap3A_220], %gather3A_217 {strides = array<i32>} : memref<8x2048xf32, #tpu.memory_space<vmem>>, vector<16xf32>,
      %add3A_222 = arith.constant 5 : i32
      %add3A_223 = vector.broadcast %add3A_222 : i32 to vector<16xi32>
      %add3A_224 = arith.addi %mul3A_181, %add3A_223 : vector<16xi32>
      %gather3A_225 = tpu.vector_load_idx %arg5[%add3A_224] : memref<8000xf32, #tpu.memory_space<vmem>>[vector<16xi32>], vector<16xf32>,
      %swap3A_226 = arith.constant 5 : i32
      %swap3A_227 = arith.index_cast %swap3A_226 : i32 to index
      %swap3A_228 = arith.index_cast %mul3A_176 : i32 to index
      %swap3A_229 = tpu.vector_load %arg7[%swap3A_227, %swap3A_228] {strides = array<i32>} : memref<8x2048xf32, #tpu.memory_space<vmem>>, vector<16xf32>,
      tpu.vector_store %arg7[%swap3A_227, %swap3A_228], %gather3A_225 {strides = array<i32>} : memref<8x2048xf32, #tpu.memory_space<vmem>>, vector<16xf32>,
      %add3A_230 = arith.constant 6 : i32
      %add3A_231 = vector.broadcast %add3A_230 : i32 to vector<16xi32>
      %add3A_232 = arith.addi %mul3A_181, %add3A_231 : vector<16xi32>
      %gather3A_233 = tpu.vector_load_idx %arg5[%add3A_232] : memref<8000xf32, #tpu.memory_space<vmem>>[vector<16xi32>], vector<16xf32>,
      %swap3A_234 = arith.constant 6 : i32
      %swap3A_235 = arith.index_cast %swap3A_234 : i32 to index
      %swap3A_236 = arith.index_cast %mul3A_176 : i32 to index
      %swap3A_237 = tpu.vector_load %arg7[%swap3A_235, %swap3A_236] {strides = array<i32>} : memref<8x2048xf32, #tpu.memory_space<vmem>>, vector<16xf32>,
      tpu.vector_store %arg7[%swap3A_235, %swap3A_236], %gather3A_233 {strides = array<i32>} : memref<8x2048xf32, #tpu.memory_space<vmem>>, vector<16xf32>,
      %add3A_238 = arith.constant 7 : i32
      %add3A_239 = vector.broadcast %add3A_238 : i32 to vector<16xi32>
      %add3A_240 = arith.addi %mul3A_181, %add3A_239 : vector<16xi32>
      %gather3A_241 = tpu.vector_load_idx %arg5[%add3A_240] : memref<8000xf32, #tpu.memory_space<vmem>>[vector<16xi32>], vector<16xf32>,
      %swap3A_242 = arith.constant 7 : i32
      %swap3A_243 = arith.index_cast %swap3A_242 : i32 to index
      %swap3A_244 = arith.index_cast %mul3A_176 : i32 to index
      %swap3A_245 = tpu.vector_load %arg7[%swap3A_243, %swap3A_244] {strides = array<i32>} : memref<8x2048xf32, #tpu.memory_space<vmem>>, vector<16xf32>,
      tpu.vector_store %arg7[%swap3A_243, %swap3A_244], %gather3A_241 {strides = array<i32>} : memref<8x2048xf32, #tpu.memory_space<vmem>>, vector<16xf32>,
      %scan3A_246 = arith.constant 2 : i32
      %scan3A_247 = arith.addi %scan3A_96, %scan3A_246 : i32
      %mul3A_248 = arith.constant 1 : i32
      %mul3A_249 = arith.muli %scan3A_247, %mul3A_248 : i32
      %add3A_250 = arith.constant 0 : i32
      %add3A_251 = arith.addi %add3A_250, %mul3A_249 : i32
      %mul3A_252 = arith.constant 16 : i32
      %mul3A_253 = arith.muli %add3A_251, %mul3A_252 : i32
      %get3A_254 = arith.index_cast %mul3A_253 : i32 to index
      %get3A_255 = tpu.vector_load %arg6[%get3A_254] {strides = array<i32>} : memref<2048xi32, #tpu.memory_space<vmem>>, vector<16xi32>,
      %mul3A_256 = arith.constant 8 : i32
      %mul3A_257 = vector.broadcast %mul3A_256 : i32 to vector<16xi32>
      %mul3A_258 = arith.muli %get3A_255, %mul3A_257 : vector<16xi32>
      %add3A_259 = arith.constant 0 : i32
      %add3A_260 = vector.broadcast %add3A_259 : i32 to vector<16xi32>
      %add3A_261 = arith.addi %mul3A_258, %add3A_260 : vector<16xi32>
      %gather3A_262 = tpu.vector_load_idx %arg5[%add3A_261] : memref<8000xf32, #tpu.memory_space<vmem>>[vector<16xi32>], vector<16xf32>,
      %swap3A_263 = arith.constant 0 : i32
      %swap3A_264 = arith.index_cast %swap3A_263 : i32 to index
      %swap3A_265 = arith.index_cast %mul3A_253 : i32 to index
      %swap3A_266 = tpu.vector_load %arg7[%swap3A_264, %swap3A_265] {strides = array<i32>} : memref<8x2048xf32, #tpu.memory_space<vmem>>, vector<16xf32>,
      tpu.vector_store %arg7[%swap3A_264, %swap3A_265], %gather3A_262 {strides = array<i32>} : memref<8x2048xf32, #tpu.memory_space<vmem>>, vector<16xf32>,
      %add3A_267 = arith.constant 1 : i32
      %add3A_268 = vector.broadcast %add3A_267 : i32 to vector<16xi32>
      %add3A_269 = arith.addi %mul3A_258, %add3A_268 : vector<16xi32>
      %gather3A_270 = tpu.vector_load_idx %arg5[%add3A_269] : memref<8000xf32, #tpu.memory_space<vmem>>[vector<16xi32>], vector<16xf32>,
      %swap3A_271 = arith.constant 1 : i32
      %swap3A_272 = arith.index_cast %swap3A_271 : i32 to index
      %swap3A_273 = arith.index_cast %mul3A_253 : i32 to index
      %swap3A_274 = tpu.vector_load %arg7[%swap3A_272, %swap3A_273] {strides = array<i32>} : memref<8x2048xf32, #tpu.memory_space<vmem>>, vector<16xf32>,
      tpu.vector_store %arg7[%swap3A_272, %swap3A_273], %gather3A_270 {strides = array<i32>} : memref<8x2048xf32, #tpu.memory_space<vmem>>, vector<16xf32>,
      %add3A_275 = arith.constant 2 : i32
      %add3A_276 = vector.broadcast %add3A_275 : i32 to vector<16xi32>
      %add3A_277 = arith.addi %mul3A_258, %add3A_276 : vector<16xi32>
      %gather3A_278 = tpu.vector_load_idx %arg5[%add3A_277] : memref<8000xf32, #tpu.memory_space<vmem>>[vector<16xi32>], vector<16xf32>,
      %swap3A_279 = arith.constant 2 : i32
      %swap3A_280 = arith.index_cast %swap3A_279 : i32 to index
      %swap3A_281 = arith.index_cast %mul3A_253 : i32 to index
      %swap3A_282 = tpu.vector_load %arg7[%swap3A_280, %swap3A_281] {strides = array<i32>} : memref<8x2048xf32, #tpu.memory_space<vmem>>, vector<16xf32>,
      tpu.vector_store %arg7[%swap3A_280, %swap3A_281], %gather3A_278 {strides = array<i32>} : memref<8x2048xf32, #tpu.memory_space<vmem>>, vector<16xf32>,
      %add3A_283 = arith.constant 3 : i32
      %add3A_284 = vector.broadcast %add3A_283 : i32 to vector<16xi32>
      %add3A_285 = arith.addi %mul3A_258, %add3A_284 : vector<16xi32>
      %gather3A_286 = tpu.vector_load_idx %arg5[%add3A_285] : memref<8000xf32, #tpu.memory_space<vmem>>[vector<16xi32>], vector<16xf32>,
      %swap3A_287 = arith.constant 3 : i32
      %swap3A_288 = arith.index_cast %swap3A_287 : i32 to index
      %swap3A_289 = arith.index_cast %mul3A_253 : i32 to index
      %swap3A_290 = tpu.vector_load %arg7[%swap3A_288, %swap3A_289] {strides = array<i32>} : memref<8x2048xf32, #tpu.memory_space<vmem>>, vector<16xf32>,
      tpu.vector_store %arg7[%swap3A_288, %swap3A_289], %gather3A_286 {strides = array<i32>} : memref<8x2048xf32, #tpu.memory_space<vmem>>, vector<16xf32>,
      %add3A_291 = arith.constant 4 : i32
      %add3A_292 = vector.broadcast %add3A_291 : i32 to vector<16xi32>
      %add3A_293 = arith.addi %mul3A_258, %add3A_292 : vector<16xi32>
      %gather3A_294 = tpu.vector_load_idx %arg5[%add3A_293] : memref<8000xf32, #tpu.memory_space<vmem>>[vector<16xi32>], vector<16xf32>,
      %swap3A_295 = arith.constant 4 : i32
      %swap3A_296 = arith.index_cast %swap3A_295 : i32 to index
      %swap3A_297 = arith.index_cast %mul3A_253 : i32 to index
      %swap3A_298 = tpu.vector_load %arg7[%swap3A_296, %swap3A_297] {strides = array<i32>} : memref<8x2048xf32, #tpu.memory_space<vmem>>, vector<16xf32>,
      tpu.vector_store %arg7[%swap3A_296, %swap3A_297], %gather3A_294 {strides = array<i32>} : memref<8x2048xf32, #tpu.memory_space<vmem>>, vector<16xf32>,
      %add3A_299 = arith.constant 5 : i32
      %add3A_300 = vector.broadcast %add3A_299 : i32 to vector<16xi32>
      %add3A_301 = arith.addi %mul3A_258, %add3A_300 : vector<16xi32>
      %gather3A_302 = tpu.vector_load_idx %arg5[%add3A_301] : memref<8000xf32, #tpu.memory_space<vmem>>[vector<16xi32>], vector<16xf32>,
      %swap3A_303 = arith.constant 5 : i32
      %swap3A_304 = arith.index_cast %swap3A_303 : i32 to index
      %swap3A_305 = arith.index_cast %mul3A_253 : i32 to index
      %swap3A_306 = tpu.vector_load %arg7[%swap3A_304, %swap3A_305] {strides = array<i32>} : memref<8x2048xf32, #tpu.memory_space<vmem>>, vector<16xf32>,
      tpu.vector_store %arg7[%swap3A_304, %swap3A_305], %gather3A_302 {strides = array<i32>} : memref<8x2048xf32, #tpu.memory_space<vmem>>, vector<16xf32>,
      %add3A_307 = arith.constant 6 : i32
      %add3A_308 = vector.broadcast %add3A_307 : i32 to vector<16xi32>
      %add3A_309 = arith.addi %mul3A_258, %add3A_308 : vector<16xi32>
      %gather3A_310 = tpu.vector_load_idx %arg5[%add3A_309] : memref<8000xf32, #tpu.memory_space<vmem>>[vector<16xi32>], vector<16xf32>,
      %swap3A_311 = arith.constant 6 : i32
      %swap3A_312 = arith.index_cast %swap3A_311 : i32 to index
      %swap3A_313 = arith.index_cast %mul3A_253 : i32 to index
      %swap3A_314 = tpu.vector_load %arg7[%swap3A_312, %swap3A_313] {strides = array<i32>} : memref<8x2048xf32, #tpu.memory_space<vmem>>, vector<16xf32>,
      tpu.vector_store %arg7[%swap3A_312, %swap3A_313], %gather3A_310 {strides = array<i32>} : memref<8x2048xf32, #tpu.memory_space<vmem>>, vector<16xf32>,
      %add3A_315 = arith.constant 7 : i32
      %add3A_316 = vector.broadcast %add3A_315 : i32 to vector<16xi32>
      %add3A_317 = arith.addi %mul3A_258, %add3A_316 : vector<16xi32>
      %gather3A_318 = tpu.vector_load_idx %arg5[%add3A_317] : memref<8000xf32, #tpu.memory_space<vmem>>[vector<16xi32>], vector<16xf32>,
      %swap3A_319 = arith.constant 7 : i32
      %swap3A_320 = arith.index_cast %swap3A_319 : i32 to index
      %swap3A_321 = arith.index_cast %mul3A_253 : i32 to index
      %swap3A_322 = tpu.vector_load %arg7[%swap3A_320, %swap3A_321] {strides = array<i32>} : memref<8x2048xf32, #tpu.memory_space<vmem>>, vector<16xf32>,
      tpu.vector_store %arg7[%swap3A_320, %swap3A_321], %gather3A_318 {strides = array<i32>} : memref<8x2048xf32, #tpu.memory_space<vmem>>, vector<16xf32>,
      %scan3A_323 = arith.constant 3 : i32
      %scan3A_324 = arith.addi %scan3A_96, %scan3A_323 : i32
      %mul3A_325 = arith.constant 1 : i32
      %mul3A_326 = arith.muli %scan3A_324, %mul3A_325 : i32
      %add3A_327 = arith.constant 0 : i32
      %add3A_328 = arith.addi %add3A_327, %mul3A_326 : i32
      %mul3A_329 = arith.constant 16 : i32
      %mul3A_330 = arith.muli %add3A_328, %mul3A_329 : i32
      %get3A_331 = arith.index_cast %mul3A_330 : i32 to index
      %get3A_332 = tpu.vector_load %arg6[%get3A_331] {strides = array<i32>} : memref<2048xi32, #tpu.memory_space<vmem>>, vector<16xi32>,
      %mul3A_333 = arith.constant 8 : i32
      %mul3A_334 = vector.broadcast %mul3A_333 : i32 to vector<16xi32>
      %mul3A_335 = arith.muli %get3A_332, %mul3A_334 : vector<16xi32>
      %add3A_336 = arith.constant 0 : i32
      %add3A_337 = vector.broadcast %add3A_336 : i32 to vector<16xi32>
      %add3A_338 = arith.addi %mul3A_335, %add3A_337 : vector<16xi32>
      %gather3A_339 = tpu.vector_load_idx %arg5[%add3A_338] : memref<8000xf32, #tpu.memory_space<vmem>>[vector<16xi32>], vector<16xf32>,
      %swap3A_340 = arith.constant 0 : i32
      %swap3A_341 = arith.index_cast %swap3A_340 : i32 to index
      %swap3A_342 = arith.index_cast %mul3A_330 : i32 to index
      %swap3A_343 = tpu.vector_load %arg7[%swap3A_341, %swap3A_342] {strides = array<i32>} : memref<8x2048xf32, #tpu.memory_space<vmem>>, vector<16xf32>,
      tpu.vector_store %arg7[%swap3A_341, %swap3A_342], %gather3A_339 {strides = array<i32>} : memref<8x2048xf32, #tpu.memory_space<vmem>>, vector<16xf32>,
      %add3A_344 = arith.constant 1 : i32
      %add3A_345 = vector.broadcast %add3A_344 : i32 to vector<16xi32>
      %add3A_346 = arith.addi %mul3A_335, %add3A_345 : vector<16xi32>
      %gather3A_347 = tpu.vector_load_idx %arg5[%add3A_346] : memref<8000xf32, #tpu.memory_space<vmem>>[vector<16xi32>], vector<16xf32>,
      %swap3A_348 = arith.constant 1 : i32
      %swap3A_349 = arith.index_cast %swap3A_348 : i32 to index
      %swap3A_350 = arith.index_cast %mul3A_330 : i32 to index
      %swap3A_351 = tpu.vector_load %arg7[%swap3A_349, %swap3A_350] {strides = array<i32>} : memref<8x2048xf32, #tpu.memory_space<vmem>>, vector<16xf32>,
      tpu.vector_store %arg7[%swap3A_349, %swap3A_350], %gather3A_347 {strides = array<i32>} : memref<8x2048xf32, #tpu.memory_space<vmem>>, vector<16xf32>,
      %add3A_352 = arith.constant 2 : i32
      %add3A_353 = vector.broadcast %add3A_352 : i32 to vector<16xi32>
      %add3A_354 = arith.addi %mul3A_335, %add3A_353 : vector<16xi32>
      %gather3A_355 = tpu.vector_load_idx %arg5[%add3A_354] : memref<8000xf32, #tpu.memory_space<vmem>>[vector<16xi32>], vector<16xf32>,
      %swap3A_356 = arith.constant 2 : i32
      %swap3A_357 = arith.index_cast %swap3A_356 : i32 to index
      %swap3A_358 = arith.index_cast %mul3A_330 : i32 to index
      %swap3A_359 = tpu.vector_load %arg7[%swap3A_357, %swap3A_358] {strides = array<i32>} : memref<8x2048xf32, #tpu.memory_space<vmem>>, vector<16xf32>,
      tpu.vector_store %arg7[%swap3A_357, %swap3A_358], %gather3A_355 {strides = array<i32>} : memref<8x2048xf32, #tpu.memory_space<vmem>>, vector<16xf32>,
      %add3A_360 = arith.constant 3 : i32
      %add3A_361 = vector.broadcast %add3A_360 : i32 to vector<16xi32>
      %add3A_362 = arith.addi %mul3A_335, %add3A_361 : vector<16xi32>
      %gather3A_363 = tpu.vector_load_idx %arg5[%add3A_362] : memref<8000xf32, #tpu.memory_space<vmem>>[vector<16xi32>], vector<16xf32>,
      %swap3A_364 = arith.constant 3 : i32
      %swap3A_365 = arith.index_cast %swap3A_364 : i32 to index
      %swap3A_366 = arith.index_cast %mul3A_330 : i32 to index
      %swap3A_367 = tpu.vector_load %arg7[%swap3A_365, %swap3A_366] {strides = array<i32>} : memref<8x2048xf32, #tpu.memory_space<vmem>>, vector<16xf32>,
      tpu.vector_store %arg7[%swap3A_365, %swap3A_366], %gather3A_363 {strides = array<i32>} : memref<8x2048xf32, #tpu.memory_space<vmem>>, vector<16xf32>,
      %add3A_368 = arith.constant 4 : i32
      %add3A_369 = vector.broadcast %add3A_368 : i32 to vector<16xi32>
      %add3A_370 = arith.addi %mul3A_335, %add3A_369 : vector<16xi32>
      %gather3A_371 = tpu.vector_load_idx %arg5[%add3A_370] : memref<8000xf32, #tpu.memory_space<vmem>>[vector<16xi32>], vector<16xf32>,
      %swap3A_372 = arith.constant 4 : i32
      %swap3A_373 = arith.index_cast %swap3A_372 : i32 to index
      %swap3A_374 = arith.index_cast %mul3A_330 : i32 to index
      %swap3A_375 = tpu.vector_load %arg7[%swap3A_373, %swap3A_374] {strides = array<i32>} : memref<8x2048xf32, #tpu.memory_space<vmem>>, vector<16xf32>,
      tpu.vector_store %arg7[%swap3A_373, %swap3A_374], %gather3A_371 {strides = array<i32>} : memref<8x2048xf32, #tpu.memory_space<vmem>>, vector<16xf32>,
      %add3A_376 = arith.constant 5 : i32
      %add3A_377 = vector.broadcast %add3A_376 : i32 to vector<16xi32>
      %add3A_378 = arith.addi %mul3A_335, %add3A_377 : vector<16xi32>
      %gather3A_379 = tpu.vector_load_idx %arg5[%add3A_378] : memref<8000xf32, #tpu.memory_space<vmem>>[vector<16xi32>], vector<16xf32>,
      %swap3A_380 = arith.constant 5 : i32
      %swap3A_381 = arith.index_cast %swap3A_380 : i32 to index
      %swap3A_382 = arith.index_cast %mul3A_330 : i32 to index
      %swap3A_383 = tpu.vector_load %arg7[%swap3A_381, %swap3A_382] {strides = array<i32>} : memref<8x2048xf32, #tpu.memory_space<vmem>>, vector<16xf32>,
      tpu.vector_store %arg7[%swap3A_381, %swap3A_382], %gather3A_379 {strides = array<i32>} : memref<8x2048xf32, #tpu.memory_space<vmem>>, vector<16xf32>,
      %add3A_384 = arith.constant 6 : i32
      %add3A_385 = vector.broadcast %add3A_384 : i32 to vector<16xi32>
      %add3A_386 = arith.addi %mul3A_335, %add3A_385 : vector<16xi32>
      %gather3A_387 = tpu.vector_load_idx %arg5[%add3A_386] : memref<8000xf32, #tpu.memory_space<vmem>>[vector<16xi32>], vector<16xf32>,
      %swap3A_388 = arith.constant 6 : i32
      %swap3A_389 = arith.index_cast %swap3A_388 : i32 to index
      %swap3A_390 = arith.index_cast %mul3A_330 : i32 to index
      %swap3A_391 = tpu.vector_load %arg7[%swap3A_389, %swap3A_390] {strides = array<i32>} : memref<8x2048xf32, #tpu.memory_space<vmem>>, vector<16xf32>,
      tpu.vector_store %arg7[%swap3A_389, %swap3A_390], %gather3A_387 {strides = array<i32>} : memref<8x2048xf32, #tpu.memory_space<vmem>>, vector<16xf32>,
      %add3A_392 = arith.constant 7 : i32
      %add3A_393 = vector.broadcast %add3A_392 : i32 to vector<16xi32>
      %add3A_394 = arith.addi %mul3A_335, %add3A_393 : vector<16xi32>
      %gather3A_395 = tpu.vector_load_idx %arg5[%add3A_394] : memref<8000xf32, #tpu.memory_space<vmem>>[vector<16xi32>], vector<16xf32>,
      %swap3A_396 = arith.constant 7 : i32
      %swap3A_397 = arith.index_cast %swap3A_396 : i32 to index
      %swap3A_398 = arith.index_cast %mul3A_330 : i32 to index
      %swap3A_399 = tpu.vector_load %arg7[%swap3A_397, %swap3A_398] {strides = array<i32>} : memref<8x2048xf32, #tpu.memory_space<vmem>>, vector<16xf32>,
      tpu.vector_store %arg7[%swap3A_397, %swap3A_398], %gather3A_395 {strides = array<i32>} : memref<8x2048xf32, #tpu.memory_space<vmem>>, vector<16xf32>,
      %scan3A_400 = arith.constant 4 : i32
      %scan3A_401 = arith.addi %scan3A_96, %scan3A_400 : i32
      %mul3A_402 = arith.constant 1 : i32
      %mul3A_403 = arith.muli %scan3A_401, %mul3A_402 : i32
      %add3A_404 = arith.constant 0 : i32
      %add3A_405 = arith.addi %add3A_404, %mul3A_403 : i32
      %mul3A_406 = arith.constant 16 : i32
      %mul3A_407 = arith.muli %add3A_405, %mul3A_406 : i32
      %get3A_408 = arith.index_cast %mul3A_407 : i32 to index
      %get3A_409 = tpu.vector_load %arg6[%get3A_408] {strides = array<i32>} : memref<2048xi32, #tpu.memory_space<vmem>>, vector<16xi32>,
      %mul3A_410 = arith.constant 8 : i32
      %mul3A_411 = vector.broadcast %mul3A_410 : i32 to vector<16xi32>
      %mul3A_412 = arith.muli %get3A_409, %mul3A_411 : vector<16xi32>
      %add3A_413 = arith.constant 0 : i32
      %add3A_414 = vector.broadcast %add3A_413 : i32 to vector<16xi32>
      %add3A_415 = arith.addi %mul3A_412, %add3A_414 : vector<16xi32>
      %gather3A_416 = tpu.vector_load_idx %arg5[%add3A_415] : memref<8000xf32, #tpu.memory_space<vmem>>[vector<16xi32>], vector<16xf32>,
      %swap3A_417 = arith.constant 0 : i32
      %swap3A_418 = arith.index_cast %swap3A_417 : i32 to index
      %swap3A_419 = arith.index_cast %mul3A_407 : i32 to index
      %swap3A_420 = tpu.vector_load %arg7[%swap3A_418, %swap3A_419] {strides = array<i32>} : memref<8x2048xf32, #tpu.memory_space<vmem>>, vector<16xf32>,
      tpu.vector_store %arg7[%swap3A_418, %swap3A_419], %gather3A_416 {strides = array<i32>} : memref<8x2048xf32, #tpu.memory_space<vmem>>, vector<16xf32>,
      %add3A_421 = arith.constant 1 : i32
      %add3A_422 = vector.broadcast %add3A_421 : i32 to vector<16xi32>
      %add3A_423 = arith.addi %mul3A_412, %add3A_422 : vector<16xi32>
      %gather3A_424 = tpu.vector_load_idx %arg5[%add3A_423] : memref<8000xf32, #tpu.memory_space<vmem>>[vector<16xi32>], vector<16xf32>,
      %swap3A_425 = arith.constant 1 : i32
      %swap3A_426 = arith.index_cast %swap3A_425 : i32 to index
      %swap3A_427 = arith.index_cast %mul3A_407 : i32 to index
      %swap3A_428 = tpu.vector_load %arg7[%swap3A_426, %swap3A_427] {strides = array<i32>} : memref<8x2048xf32, #tpu.memory_space<vmem>>, vector<16xf32>,
      tpu.vector_store %arg7[%swap3A_426, %swap3A_427], %gather3A_424 {strides = array<i32>} : memref<8x2048xf32, #tpu.memory_space<vmem>>, vector<16xf32>,
      %add3A_429 = arith.constant 2 : i32
      %add3A_430 = vector.broadcast %add3A_429 : i32 to vector<16xi32>
      %add3A_431 = arith.addi %mul3A_412, %add3A_430 : vector<16xi32>
      %gather3A_432 = tpu.vector_load_idx %arg5[%add3A_431] : memref<8000xf32, #tpu.memory_space<vmem>>[vector<16xi32>], vector<16xf32>,
      %swap3A_433 = arith.constant 2 : i32
      %swap3A_434 = arith.index_cast %swap3A_433 : i32 to index
      %swap3A_435 = arith.index_cast %mul3A_407 : i32 to index
      %swap3A_436 = tpu.vector_load %arg7[%swap3A_434, %swap3A_435] {strides = array<i32>} : memref<8x2048xf32, #tpu.memory_space<vmem>>, vector<16xf32>,
      tpu.vector_store %arg7[%swap3A_434, %swap3A_435], %gather3A_432 {strides = array<i32>} : memref<8x2048xf32, #tpu.memory_space<vmem>>, vector<16xf32>,
      %add3A_437 = arith.constant 3 : i32
      %add3A_438 = vector.broadcast %add3A_437 : i32 to vector<16xi32>
      %add3A_439 = arith.addi %mul3A_412, %add3A_438 : vector<16xi32>
      %gather3A_440 = tpu.vector_load_idx %arg5[%add3A_439] : memref<8000xf32, #tpu.memory_space<vmem>>[vector<16xi32>], vector<16xf32>,
      %swap3A_441 = arith.constant 3 : i32
      %swap3A_442 = arith.index_cast %swap3A_441 : i32 to index
      %swap3A_443 = arith.index_cast %mul3A_407 : i32 to index
      %swap3A_444 = tpu.vector_load %arg7[%swap3A_442, %swap3A_443] {strides = array<i32>} : memref<8x2048xf32, #tpu.memory_space<vmem>>, vector<16xf32>,
      tpu.vector_store %arg7[%swap3A_442, %swap3A_443], %gather3A_440 {strides = array<i32>} : memref<8x2048xf32, #tpu.memory_space<vmem>>, vector<16xf32>,
      %add3A_445 = arith.constant 4 : i32
      %add3A_446 = vector.broadcast %add3A_445 : i32 to vector<16xi32>
      %add3A_447 = arith.addi %mul3A_412, %add3A_446 : vector<16xi32>
      %gather3A_448 = tpu.vector_load_idx %arg5[%add3A_447] : memref<8000xf32, #tpu.memory_space<vmem>>[vector<16xi32>], vector<16xf32>,
      %swap3A_449 = arith.constant 4 : i32
      %swap3A_450 = arith.index_cast %swap3A_449 : i32 to index
      %swap3A_451 = arith.index_cast %mul3A_407 : i32 to index
      %swap3A_452 = tpu.vector_load %arg7[%swap3A_450, %swap3A_451] {strides = array<i32>} : memref<8x2048xf32, #tpu.memory_space<vmem>>, vector<16xf32>,
      tpu.vector_store %arg7[%swap3A_450, %swap3A_451], %gather3A_448 {strides = array<i32>} : memref<8x2048xf32, #tpu.memory_space<vmem>>, vector<16xf32>,
      %add3A_453 = arith.constant 5 : i32
      %add3A_454 = vector.broadcast %add3A_453 : i32 to vector<16xi32>
      %add3A_455 = arith.addi %mul3A_412, %add3A_454 : vector<16xi32>
      %gather3A_456 = tpu.vector_load_idx %arg5[%add3A_455] : memref<8000xf32, #tpu.memory_space<vmem>>[vector<16xi32>], vector<16xf32>,
      %swap3A_457 = arith.constant 5 : i32
      %swap3A_458 = arith.index_cast %swap3A_457 : i32 to index
      %swap3A_459 = arith.index_cast %mul3A_407 : i32 to index
      %swap3A_460 = tpu.vector_load %arg7[%swap3A_458, %swap3A_459] {strides = array<i32>} : memref<8x2048xf32, #tpu.memory_space<vmem>>, vector<16xf32>,
      tpu.vector_store %arg7[%swap3A_458, %swap3A_459], %gather3A_456 {strides = array<i32>} : memref<8x2048xf32, #tpu.memory_space<vmem>>, vector<16xf32>,
      %add3A_461 = arith.constant 6 : i32
      %add3A_462 = vector.broadcast %add3A_461 : i32 to vector<16xi32>
      %add3A_463 = arith.addi %mul3A_412, %add3A_462 : vector<16xi32>
      %gather3A_464 = tpu.vector_load_idx %arg5[%add3A_463] : memref<8000xf32, #tpu.memory_space<vmem>>[vector<16xi32>], vector<16xf32>,
      %swap3A_465 = arith.constant 6 : i32
      %swap3A_466 = arith.index_cast %swap3A_465 : i32 to index
      %swap3A_467 = arith.index_cast %mul3A_407 : i32 to index
      %swap3A_468 = tpu.vector_load %arg7[%swap3A_466, %swap3A_467] {strides = array<i32>} : memref<8x2048xf32, #tpu.memory_space<vmem>>, vector<16xf32>,
      tpu.vector_store %arg7[%swap3A_466, %swap3A_467], %gather3A_464 {strides = array<i32>} : memref<8x2048xf32, #tpu.memory_space<vmem>>, vector<16xf32>,
      %add3A_469 = arith.constant 7 : i32
      %add3A_470 = vector.broadcast %add3A_469 : i32 to vector<16xi32>
      %add3A_471 = arith.addi %mul3A_412, %add3A_470 : vector<16xi32>
      %gather3A_472 = tpu.vector_load_idx %arg5[%add3A_471] : memref<8000xf32, #tpu.memory_space<vmem>>[vector<16xi32>], vector<16xf32>,
      %swap3A_473 = arith.constant 7 : i32
      %swap3A_474 = arith.index_cast %swap3A_473 : i32 to index
      %swap3A_475 = arith.index_cast %mul3A_407 : i32 to index
      %swap3A_476 = tpu.vector_load %arg7[%swap3A_474, %swap3A_475] {strides = array<i32>} : memref<8x2048xf32, #tpu.memory_space<vmem>>, vector<16xf32>,
      tpu.vector_store %arg7[%swap3A_474, %swap3A_475], %gather3A_472 {strides = array<i32>} : memref<8x2048xf32, #tpu.memory_space<vmem>>, vector<16xf32>,
      %scan3A_477 = arith.constant 5 : i32
      %scan3A_478 = arith.addi %scan3A_96, %scan3A_477 : i32
      %mul3A_479 = arith.constant 1 : i32
      %mul3A_480 = arith.muli %scan3A_478, %mul3A_479 : i32
      %add3A_481 = arith.constant 0 : i32
      %add3A_482 = arith.addi %add3A_481, %mul3A_480 : i32
      %mul3A_483 = arith.constant 16 : i32
      %mul3A_484 = arith.muli %add3A_482, %mul3A_483 : i32
      %get3A_485 = arith.index_cast %mul3A_484 : i32 to index
      %get3A_486 = tpu.vector_load %arg6[%get3A_485] {strides = array<i32>} : memref<2048xi32, #tpu.memory_space<vmem>>, vector<16xi32>,
      %mul3A_487 = arith.constant 8 : i32
      %mul3A_488 = vector.broadcast %mul3A_487 : i32 to vector<16xi32>
      %mul3A_489 = arith.muli %get3A_486, %mul3A_488 : vector<16xi32>
      %add3A_490 = arith.constant 0 : i32
      %add3A_491 = vector.broadcast %add3A_490 : i32 to vector<16xi32>
      %add3A_492 = arith.addi %mul3A_489, %add3A_491 : vector<16xi32>
      %gather3A_493 = tpu.vector_load_idx %arg5[%add3A_492] : memref<8000xf32, #tpu.memory_space<vmem>>[vector<16xi32>], vector<16xf32>,
      %swap3A_494 = arith.constant 0 : i32
      %swap3A_495 = arith.index_cast %swap3A_494 : i32 to index
      %swap3A_496 = arith.index_cast %mul3A_484 : i32 to index
      %swap3A_497 = tpu.vector_load %arg7[%swap3A_495, %swap3A_496] {strides = array<i32>} : memref<8x2048xf32, #tpu.memory_space<vmem>>, vector<16xf32>,
      tpu.vector_store %arg7[%swap3A_495, %swap3A_496], %gather3A_493 {strides = array<i32>} : memref<8x2048xf32, #tpu.memory_space<vmem>>, vector<16xf32>,
      %add3A_498 = arith.constant 1 : i32
      %add3A_499 = vector.broadcast %add3A_498 : i32 to vector<16xi32>
      %add3A_500 = arith.addi %mul3A_489, %add3A_499 : vector<16xi32>
      %gather3A_501 = tpu.vector_load_idx %arg5[%add3A_500] : memref<8000xf32, #tpu.memory_space<vmem>>[vector<16xi32>], vector<16xf32>,
      %swap3A_502 = arith.constant 1 : i32
      %swap3A_503 = arith.index_cast %swap3A_502 : i32 to index
      %swap3A_504 = arith.index_cast %mul3A_484 : i32 to index
      %swap3A_505 = tpu.vector_load %arg7[%swap3A_503, %swap3A_504] {strides = array<i32>} : memref<8x2048xf32, #tpu.memory_space<vmem>>, vector<16xf32>,
      tpu.vector_store %arg7[%swap3A_503, %swap3A_504], %gather3A_501 {strides = array<i32>} : memref<8x2048xf32, #tpu.memory_space<vmem>>, vector<16xf32>,
      %add3A_506 = arith.constant 2 : i32
      %add3A_507 = vector.broadcast %add3A_506 : i32 to vector<16xi32>
      %add3A_508 = arith.addi %mul3A_489, %add3A_507 : vector<16xi32>
      %gather3A_509 = tpu.vector_load_idx %arg5[%add3A_508] : memref<8000xf32, #tpu.memory_space<vmem>>[vector<16xi32>], vector<16xf32>,
      %swap3A_510 = arith.constant 2 : i32
      %swap3A_511 = arith.index_cast %swap3A_510 : i32 to index
      %swap3A_512 = arith.index_cast %mul3A_484 : i32 to index
      %swap3A_513 = tpu.vector_load %arg7[%swap3A_511, %swap3A_512] {strides = array<i32>} : memref<8x2048xf32, #tpu.memory_space<vmem>>, vector<16xf32>,
      tpu.vector_store %arg7[%swap3A_511, %swap3A_512], %gather3A_509 {strides = array<i32>} : memref<8x2048xf32, #tpu.memory_space<vmem>>, vector<16xf32>,
      %add3A_514 = arith.constant 3 : i32
      %add3A_515 = vector.broadcast %add3A_514 : i32 to vector<16xi32>
      %add3A_516 = arith.addi %mul3A_489, %add3A_515 : vector<16xi32>
      %gather3A_517 = tpu.vector_load_idx %arg5[%add3A_516] : memref<8000xf32, #tpu.memory_space<vmem>>[vector<16xi32>], vector<16xf32>,
      %swap3A_518 = arith.constant 3 : i32
      %swap3A_519 = arith.index_cast %swap3A_518 : i32 to index
      %swap3A_520 = arith.index_cast %mul3A_484 : i32 to index
      %swap3A_521 = tpu.vector_load %arg7[%swap3A_519, %swap3A_520] {strides = array<i32>} : memref<8x2048xf32, #tpu.memory_space<vmem>>, vector<16xf32>,
      tpu.vector_store %arg7[%swap3A_519, %swap3A_520], %gather3A_517 {strides = array<i32>} : memref<8x2048xf32, #tpu.memory_space<vmem>>, vector<16xf32>,
      %add3A_522 = arith.constant 4 : i32
      %add3A_523 = vector.broadcast %add3A_522 : i32 to vector<16xi32>
      %add3A_524 = arith.addi %mul3A_489, %add3A_523 : vector<16xi32>
      %gather3A_525 = tpu.vector_load_idx %arg5[%add3A_524] : memref<8000xf32, #tpu.memory_space<vmem>>[vector<16xi32>], vector<16xf32>,
      %swap3A_526 = arith.constant 4 : i32
      %swap3A_527 = arith.index_cast %swap3A_526 : i32 to index
      %swap3A_528 = arith.index_cast %mul3A_484 : i32 to index
      %swap3A_529 = tpu.vector_load %arg7[%swap3A_527, %swap3A_528] {strides = array<i32>} : memref<8x2048xf32, #tpu.memory_space<vmem>>, vector<16xf32>,
      tpu.vector_store %arg7[%swap3A_527, %swap3A_528], %gather3A_525 {strides = array<i32>} : memref<8x2048xf32, #tpu.memory_space<vmem>>, vector<16xf32>,
      %add3A_530 = arith.constant 5 : i32
      %add3A_531 = vector.broadcast %add3A_530 : i32 to vector<16xi32>
      %add3A_532 = arith.addi %mul3A_489, %add3A_531 : vector<16xi32>
      %gather3A_533 = tpu.vector_load_idx %arg5[%add3A_532] : memref<8000xf32, #tpu.memory_space<vmem>>[vector<16xi32>], vector<16xf32>,
      %swap3A_534 = arith.constant 5 : i32
      %swap3A_535 = arith.index_cast %swap3A_534 : i32 to index
      %swap3A_536 = arith.index_cast %mul3A_484 : i32 to index
      %swap3A_537 = tpu.vector_load %arg7[%swap3A_535, %swap3A_536] {strides = array<i32>} : memref<8x2048xf32, #tpu.memory_space<vmem>>, vector<16xf32>,
      tpu.vector_store %arg7[%swap3A_535, %swap3A_536], %gather3A_533 {strides = array<i32>} : memref<8x2048xf32, #tpu.memory_space<vmem>>, vector<16xf32>,
      %add3A_538 = arith.constant 6 : i32
      %add3A_539 = vector.broadcast %add3A_538 : i32 to vector<16xi32>
      %add3A_540 = arith.addi %mul3A_489, %add3A_539 : vector<16xi32>
      %gather3A_541 = tpu.vector_load_idx %arg5[%add3A_540] : memref<8000xf32, #tpu.memory_space<vmem>>[vector<16xi32>], vector<16xf32>,
      %swap3A_542 = arith.constant 6 : i32
      %swap3A_543 = arith.index_cast %swap3A_542 : i32 to index
      %swap3A_544 = arith.index_cast %mul3A_484 : i32 to index
      %swap3A_545 = tpu.vector_load %arg7[%swap3A_543, %swap3A_544] {strides = array<i32>} : memref<8x2048xf32, #tpu.memory_space<vmem>>, vector<16xf32>,
      tpu.vector_store %arg7[%swap3A_543, %swap3A_544], %gather3A_541 {strides = array<i32>} : memref<8x2048xf32, #tpu.memory_space<vmem>>, vector<16xf32>,
      %add3A_546 = arith.constant 7 : i32
      %add3A_547 = vector.broadcast %add3A_546 : i32 to vector<16xi32>
      %add3A_548 = arith.addi %mul3A_489, %add3A_547 : vector<16xi32>
      %gather3A_549 = tpu.vector_load_idx %arg5[%add3A_548] : memref<8000xf32, #tpu.memory_space<vmem>>[vector<16xi32>], vector<16xf32>,
      %swap3A_550 = arith.constant 7 : i32
      %swap3A_551 = arith.index_cast %swap3A_550 : i32 to index
      %swap3A_552 = arith.index_cast %mul3A_484 : i32 to index
      %swap3A_553 = tpu.vector_load %arg7[%swap3A_551, %swap3A_552] {strides = array<i32>} : memref<8x2048xf32, #tpu.memory_space<vmem>>, vector<16xf32>,
      tpu.vector_store %arg7[%swap3A_551, %swap3A_552], %gather3A_549 {strides = array<i32>} : memref<8x2048xf32, #tpu.memory_space<vmem>>, vector<16xf32>,
      %scan3A_554 = arith.constant 6 : i32
      %scan3A_555 = arith.addi %scan3A_96, %scan3A_554 : i32
      %mul3A_556 = arith.constant 1 : i32
      %mul3A_557 = arith.muli %scan3A_555, %mul3A_556 : i32
      %add3A_558 = arith.constant 0 : i32
      %add3A_559 = arith.addi %add3A_558, %mul3A_557 : i32
      %mul3A_560 = arith.constant 16 : i32
      %mul3A_561 = arith.muli %add3A_559, %mul3A_560 : i32
      %get3A_562 = arith.index_cast %mul3A_561 : i32 to index
      %get3A_563 = tpu.vector_load %arg6[%get3A_562] {strides = array<i32>} : memref<2048xi32, #tpu.memory_space<vmem>>, vector<16xi32>,
      %mul3A_564 = arith.constant 8 : i32
      %mul3A_565 = vector.broadcast %mul3A_564 : i32 to vector<16xi32>
      %mul3A_566 = arith.muli %get3A_563, %mul3A_565 : vector<16xi32>
      %add3A_567 = arith.constant 0 : i32
      %add3A_568 = vector.broadcast %add3A_567 : i32 to vector<16xi32>
      %add3A_569 = arith.addi %mul3A_566, %add3A_568 : vector<16xi32>
      %gather3A_570 = tpu.vector_load_idx %arg5[%add3A_569] : memref<8000xf32, #tpu.memory_space<vmem>>[vector<16xi32>], vector<16xf32>,
      %swap3A_571 = arith.constant 0 : i32
      %swap3A_572 = arith.index_cast %swap3A_571 : i32 to index
      %swap3A_573 = arith.index_cast %mul3A_561 : i32 to index
      %swap3A_574 = tpu.vector_load %arg7[%swap3A_572, %swap3A_573] {strides = array<i32>} : memref<8x2048xf32, #tpu.memory_space<vmem>>, vector<16xf32>,
      tpu.vector_store %arg7[%swap3A_572, %swap3A_573], %gather3A_570 {strides = array<i32>} : memref<8x2048xf32, #tpu.memory_space<vmem>>, vector<16xf32>,
      %add3A_575 = arith.constant 1 : i32
      %add3A_576 = vector.broadcast %add3A_575 : i32 to vector<16xi32>
      %add3A_577 = arith.addi %mul3A_566, %add3A_576 : vector<16xi32>
      %gather3A_578 = tpu.vector_load_idx %arg5[%add3A_577] : memref<8000xf32, #tpu.memory_space<vmem>>[vector<16xi32>], vector<16xf32>,
      %swap3A_579 = arith.constant 1 : i32
      %swap3A_580 = arith.index_cast %swap3A_579 : i32 to index
      %swap3A_581 = arith.index_cast %mul3A_561 : i32 to index
      %swap3A_582 = tpu.vector_load %arg7[%swap3A_580, %swap3A_581] {strides = array<i32>} : memref<8x2048xf32, #tpu.memory_space<vmem>>, vector<16xf32>,
      tpu.vector_store %arg7[%swap3A_580, %swap3A_581], %gather3A_578 {strides = array<i32>} : memref<8x2048xf32, #tpu.memory_space<vmem>>, vector<16xf32>,
      %add3A_583 = arith.constant 2 : i32
      %add3A_584 = vector.broadcast %add3A_583 : i32 to vector<16xi32>
      %add3A_585 = arith.addi %mul3A_566, %add3A_584 : vector<16xi32>
      %gather3A_586 = tpu.vector_load_idx %arg5[%add3A_585] : memref<8000xf32, #tpu.memory_space<vmem>>[vector<16xi32>], vector<16xf32>,
      %swap3A_587 = arith.constant 2 : i32
      %swap3A_588 = arith.index_cast %swap3A_587 : i32 to index
      %swap3A_589 = arith.index_cast %mul3A_561 : i32 to index
      %swap3A_590 = tpu.vector_load %arg7[%swap3A_588, %swap3A_589] {strides = array<i32>} : memref<8x2048xf32, #tpu.memory_space<vmem>>, vector<16xf32>,
      tpu.vector_store %arg7[%swap3A_588, %swap3A_589], %gather3A_586 {strides = array<i32>} : memref<8x2048xf32, #tpu.memory_space<vmem>>, vector<16xf32>,
      %add3A_591 = arith.constant 3 : i32
      %add3A_592 = vector.broadcast %add3A_591 : i32 to vector<16xi32>
      %add3A_593 = arith.addi %mul3A_566, %add3A_592 : vector<16xi32>
      %gather3A_594 = tpu.vector_load_idx %arg5[%add3A_593] : memref<8000xf32, #tpu.memory_space<vmem>>[vector<16xi32>], vector<16xf32>,
      %swap3A_595 = arith.constant 3 : i32
      %swap3A_596 = arith.index_cast %swap3A_595 : i32 to index
      %swap3A_597 = arith.index_cast %mul3A_561 : i32 to index
      %swap3A_598 = tpu.vector_load %arg7[%swap3A_596, %swap3A_597] {strides = array<i32>} : memref<8x2048xf32, #tpu.memory_space<vmem>>, vector<16xf32>,
      tpu.vector_store %arg7[%swap3A_596, %swap3A_597], %gather3A_594 {strides = array<i32>} : memref<8x2048xf32, #tpu.memory_space<vmem>>, vector<16xf32>,
      %add3A_599 = arith.constant 4 : i32
      %add3A_600 = vector.broadcast %add3A_599 : i32 to vector<16xi32>
      %add3A_601 = arith.addi %mul3A_566, %add3A_600 : vector<16xi32>
      %gather3A_602 = tpu.vector_load_idx %arg5[%add3A_601] : memref<8000xf32, #tpu.memory_space<vmem>>[vector<16xi32>], vector<16xf32>,
      %swap3A_603 = arith.constant 4 : i32
      %swap3A_604 = arith.index_cast %swap3A_603 : i32 to index
      %swap3A_605 = arith.index_cast %mul3A_561 : i32 to index
      %swap3A_606 = tpu.vector_load %arg7[%swap3A_604, %swap3A_605] {strides = array<i32>} : memref<8x2048xf32, #tpu.memory_space<vmem>>, vector<16xf32>,
      tpu.vector_store %arg7[%swap3A_604, %swap3A_605], %gather3A_602 {strides = array<i32>} : memref<8x2048xf32, #tpu.memory_space<vmem>>, vector<16xf32>,
      %add3A_607 = arith.constant 5 : i32
      %add3A_608 = vector.broadcast %add3A_607 : i32 to vector<16xi32>
      %add3A_609 = arith.addi %mul3A_566, %add3A_608 : vector<16xi32>
      %gather3A_610 = tpu.vector_load_idx %arg5[%add3A_609] : memref<8000xf32, #tpu.memory_space<vmem>>[vector<16xi32>], vector<16xf32>,
      %swap3A_611 = arith.constant 5 : i32
      %swap3A_612 = arith.index_cast %swap3A_611 : i32 to index
      %swap3A_613 = arith.index_cast %mul3A_561 : i32 to index
      %swap3A_614 = tpu.vector_load %arg7[%swap3A_612, %swap3A_613] {strides = array<i32>} : memref<8x2048xf32, #tpu.memory_space<vmem>>, vector<16xf32>,
      tpu.vector_store %arg7[%swap3A_612, %swap3A_613], %gather3A_610 {strides = array<i32>} : memref<8x2048xf32, #tpu.memory_space<vmem>>, vector<16xf32>,
      %add3A_615 = arith.constant 6 : i32
      %add3A_616 = vector.broadcast %add3A_615 : i32 to vector<16xi32>
      %add3A_617 = arith.addi %mul3A_566, %add3A_616 : vector<16xi32>
      %gather3A_618 = tpu.vector_load_idx %arg5[%add3A_617] : memref<8000xf32, #tpu.memory_space<vmem>>[vector<16xi32>], vector<16xf32>,
      %swap3A_619 = arith.constant 6 : i32
      %swap3A_620 = arith.index_cast %swap3A_619 : i32 to index
      %swap3A_621 = arith.index_cast %mul3A_561 : i32 to index
      %swap3A_622 = tpu.vector_load %arg7[%swap3A_620, %swap3A_621] {strides = array<i32>} : memref<8x2048xf32, #tpu.memory_space<vmem>>, vector<16xf32>,
      tpu.vector_store %arg7[%swap3A_620, %swap3A_621], %gather3A_618 {strides = array<i32>} : memref<8x2048xf32, #tpu.memory_space<vmem>>, vector<16xf32>,
      %add3A_623 = arith.constant 7 : i32
      %add3A_624 = vector.broadcast %add3A_623 : i32 to vector<16xi32>
      %add3A_625 = arith.addi %mul3A_566, %add3A_624 : vector<16xi32>
      %gather3A_626 = tpu.vector_load_idx %arg5[%add3A_625] : memref<8000xf32, #tpu.memory_space<vmem>>[vector<16xi32>], vector<16xf32>,
      %swap3A_627 = arith.constant 7 : i32
      %swap3A_628 = arith.index_cast %swap3A_627 : i32 to index
      %swap3A_629 = arith.index_cast %mul3A_561 : i32 to index
      %swap3A_630 = tpu.vector_load %arg7[%swap3A_628, %swap3A_629] {strides = array<i32>} : memref<8x2048xf32, #tpu.memory_space<vmem>>, vector<16xf32>,
      tpu.vector_store %arg7[%swap3A_628, %swap3A_629], %gather3A_626 {strides = array<i32>} : memref<8x2048xf32, #tpu.memory_space<vmem>>, vector<16xf32>,
      %scan3A_631 = arith.constant 7 : i32
      %scan3A_632 = arith.addi %scan3A_96, %scan3A_631 : i32
      %mul3A_633 = arith.constant 1 : i32
      %mul3A_634 = arith.muli %scan3A_632, %mul3A_633 : i32
      %add3A_635 = arith.constant 0 : i32
      %add3A_636 = arith.addi %add3A_635, %mul3A_634 : i32
      %mul3A_637 = arith.constant 16 : i32
      %mul3A_638 = arith.muli %add3A_636, %mul3A_637 : i32
      %get3A_639 = arith.index_cast %mul3A_638 : i32 to index
      %get3A_640 = tpu.vector_load %arg6[%get3A_639] {strides = array<i32>} : memref<2048xi32, #tpu.memory_space<vmem>>, vector<16xi32>,
      %mul3A_641 = arith.constant 8 : i32
      %mul3A_642 = vector.broadcast %mul3A_641 : i32 to vector<16xi32>
      %mul3A_643 = arith.muli %get3A_640, %mul3A_642 : vector<16xi32>
      %add3A_644 = arith.constant 0 : i32
      %add3A_645 = vector.broadcast %add3A_644 : i32 to vector<16xi32>
      %add3A_646 = arith.addi %mul3A_643, %add3A_645 : vector<16xi32>
      %gather3A_647 = tpu.vector_load_idx %arg5[%add3A_646] : memref<8000xf32, #tpu.memory_space<vmem>>[vector<16xi32>], vector<16xf32>,
      %swap3A_648 = arith.constant 0 : i32
      %swap3A_649 = arith.index_cast %swap3A_648 : i32 to index
      %swap3A_650 = arith.index_cast %mul3A_638 : i32 to index
      %swap3A_651 = tpu.vector_load %arg7[%swap3A_649, %swap3A_650] {strides = array<i32>} : memref<8x2048xf32, #tpu.memory_space<vmem>>, vector<16xf32>,
      tpu.vector_store %arg7[%swap3A_649, %swap3A_650], %gather3A_647 {strides = array<i32>} : memref<8x2048xf32, #tpu.memory_space<vmem>>, vector<16xf32>,
      %add3A_652 = arith.constant 1 : i32
      %add3A_653 = vector.broadcast %add3A_652 : i32 to vector<16xi32>
      %add3A_654 = arith.addi %mul3A_643, %add3A_653 : vector<16xi32>
      %gather3A_655 = tpu.vector_load_idx %arg5[%add3A_654] : memref<8000xf32, #tpu.memory_space<vmem>>[vector<16xi32>], vector<16xf32>,
      %swap3A_656 = arith.constant 1 : i32
      %swap3A_657 = arith.index_cast %swap3A_656 : i32 to index
      %swap3A_658 = arith.index_cast %mul3A_638 : i32 to index
      %swap3A_659 = tpu.vector_load %arg7[%swap3A_657, %swap3A_658] {strides = array<i32>} : memref<8x2048xf32, #tpu.memory_space<vmem>>, vector<16xf32>,
      tpu.vector_store %arg7[%swap3A_657, %swap3A_658], %gather3A_655 {strides = array<i32>} : memref<8x2048xf32, #tpu.memory_space<vmem>>, vector<16xf32>,
      %add3A_660 = arith.constant 2 : i32
      %add3A_661 = vector.broadcast %add3A_660 : i32 to vector<16xi32>
      %add3A_662 = arith.addi %mul3A_643, %add3A_661 : vector<16xi32>
      %gather3A_663 = tpu.vector_load_idx %arg5[%add3A_662] : memref<8000xf32, #tpu.memory_space<vmem>>[vector<16xi32>], vector<16xf32>,
      %swap3A_664 = arith.constant 2 : i32
      %swap3A_665 = arith.index_cast %swap3A_664 : i32 to index
      %swap3A_666 = arith.index_cast %mul3A_638 : i32 to index
      %swap3A_667 = tpu.vector_load %arg7[%swap3A_665, %swap3A_666] {strides = array<i32>} : memref<8x2048xf32, #tpu.memory_space<vmem>>, vector<16xf32>,
      tpu.vector_store %arg7[%swap3A_665, %swap3A_666], %gather3A_663 {strides = array<i32>} : memref<8x2048xf32, #tpu.memory_space<vmem>>, vector<16xf32>,
      %add3A_668 = arith.constant 3 : i32
      %add3A_669 = vector.broadcast %add3A_668 : i32 to vector<16xi32>
      %add3A_670 = arith.addi %mul3A_643, %add3A_669 : vector<16xi32>
      %gather3A_671 = tpu.vector_load_idx %arg5[%add3A_670] : memref<8000xf32, #tpu.memory_space<vmem>>[vector<16xi32>], vector<16xf32>,
      %swap3A_672 = arith.constant 3 : i32
      %swap3A_673 = arith.index_cast %swap3A_672 : i32 to index
      %swap3A_674 = arith.index_cast %mul3A_638 : i32 to index
      %swap3A_675 = tpu.vector_load %arg7[%swap3A_673, %swap3A_674] {strides = array<i32>} : memref<8x2048xf32, #tpu.memory_space<vmem>>, vector<16xf32>,
      tpu.vector_store %arg7[%swap3A_673, %swap3A_674], %gather3A_671 {strides = array<i32>} : memref<8x2048xf32, #tpu.memory_space<vmem>>, vector<16xf32>,
      %add3A_676 = arith.constant 4 : i32
      %add3A_677 = vector.broadcast %add3A_676 : i32 to vector<16xi32>
      %add3A_678 = arith.addi %mul3A_643, %add3A_677 : vector<16xi32>
      %gather3A_679 = tpu.vector_load_idx %arg5[%add3A_678] : memref<8000xf32, #tpu.memory_space<vmem>>[vector<16xi32>], vector<16xf32>,
      %swap3A_680 = arith.constant 4 : i32
      %swap3A_681 = arith.index_cast %swap3A_680 : i32 to index
      %swap3A_682 = arith.index_cast %mul3A_638 : i32 to index
      %swap3A_683 = tpu.vector_load %arg7[%swap3A_681, %swap3A_682] {strides = array<i32>} : memref<8x2048xf32, #tpu.memory_space<vmem>>, vector<16xf32>,
      tpu.vector_store %arg7[%swap3A_681, %swap3A_682], %gather3A_679 {strides = array<i32>} : memref<8x2048xf32, #tpu.memory_space<vmem>>, vector<16xf32>,
      %add3A_684 = arith.constant 5 : i32
      %add3A_685 = vector.broadcast %add3A_684 : i32 to vector<16xi32>
      %add3A_686 = arith.addi %mul3A_643, %add3A_685 : vector<16xi32>
      %gather3A_687 = tpu.vector_load_idx %arg5[%add3A_686] : memref<8000xf32, #tpu.memory_space<vmem>>[vector<16xi32>], vector<16xf32>,
      %swap3A_688 = arith.constant 5 : i32
      %swap3A_689 = arith.index_cast %swap3A_688 : i32 to index
      %swap3A_690 = arith.index_cast %mul3A_638 : i32 to index
      %swap3A_691 = tpu.vector_load %arg7[%swap3A_689, %swap3A_690] {strides = array<i32>} : memref<8x2048xf32, #tpu.memory_space<vmem>>, vector<16xf32>,
      tpu.vector_store %arg7[%swap3A_689, %swap3A_690], %gather3A_687 {strides = array<i32>} : memref<8x2048xf32, #tpu.memory_space<vmem>>, vector<16xf32>,
      %add3A_692 = arith.constant 6 : i32
      %add3A_693 = vector.broadcast %add3A_692 : i32 to vector<16xi32>
      %add3A_694 = arith.addi %mul3A_643, %add3A_693 : vector<16xi32>
      %gather3A_695 = tpu.vector_load_idx %arg5[%add3A_694] : memref<8000xf32, #tpu.memory_space<vmem>>[vector<16xi32>], vector<16xf32>,
      %swap3A_696 = arith.constant 6 : i32
      %swap3A_697 = arith.index_cast %swap3A_696 : i32 to index
      %swap3A_698 = arith.index_cast %mul3A_638 : i32 to index
      %swap3A_699 = tpu.vector_load %arg7[%swap3A_697, %swap3A_698] {strides = array<i32>} : memref<8x2048xf32, #tpu.memory_space<vmem>>, vector<16xf32>,
      tpu.vector_store %arg7[%swap3A_697, %swap3A_698], %gather3A_695 {strides = array<i32>} : memref<8x2048xf32, #tpu.memory_space<vmem>>, vector<16xf32>,
      %add3A_700 = arith.constant 7 : i32
      %add3A_701 = vector.broadcast %add3A_700 : i32 to vector<16xi32>
      %add3A_702 = arith.addi %mul3A_643, %add3A_701 : vector<16xi32>
      %gather3A_703 = tpu.vector_load_idx %arg5[%add3A_702] : memref<8000xf32, #tpu.memory_space<vmem>>[vector<16xi32>], vector<16xf32>,
      %swap3A_704 = arith.constant 7 : i32
      %swap3A_705 = arith.index_cast %swap3A_704 : i32 to index
      %swap3A_706 = arith.index_cast %mul3A_638 : i32 to index
      %swap3A_707 = tpu.vector_load %arg7[%swap3A_705, %swap3A_706] {strides = array<i32>} : memref<8x2048xf32, #tpu.memory_space<vmem>>, vector<16xf32>,
      tpu.vector_store %arg7[%swap3A_705, %swap3A_706], %gather3A_703 {strides = array<i32>} : memref<8x2048xf32, #tpu.memory_space<vmem>>, vector<16xf32>,
    }
    %scan3A_50 = arith.constant 64 : i32
    %mul3A_51 = arith.constant 8 : i32
    %mul3A_52 = arith.muli %select_n3A_9, %mul3A_51 : i32
    %add3A_53 = arith.constant 0 : i32
    %add3A_54 = arith.addi %mul3A_32, %add3A_53 : i32
    %dma_start3A_55 = arith.constant 0 : i32
    %dma_start3A_56 = arith.constant 0 : i32
    %dma_start3A_57 = tpu.memref_slice %arg7[%dma_start3A_55, %dma_start3A_56] : memref<8x2048xf32, #tpu.memory_space<vmem>> -> memref<8x1024xf32, #tpu.memory_space<vmem>>
    %dma_start3A_58 = tpu.memref_slice %arg4[%mul3A_52, %add3A_54] : memref<32x16384xf32, #tpu.memory_space<hbm>> -> memref<8x1024xf32, #tpu.memory_space<hbm>>
    %dma_start3A_59 = tpu.memref_slice %arg4[%mul3A_52, %add3A_54] : memref<32x16384xf32, #tpu.memory_space<hbm>> -> memref<8x1024xf32, #tpu.memory_space<hbm>>
    %dma_start3A_60 = arith.constant 0 : i32
    %dma_start3A_61 = arith.constant 0 : i32
    %dma_start3A_62 = tpu.memref_slice %arg7[%dma_start3A_60, %dma_start3A_61] : memref<8x2048xf32, #tpu.memory_space<vmem>> -> memref<8x1024xf32, #tpu.memory_space<vmem>>
    tpu.enqueue_dma source(%dma_start3A_62 : memref<8x1024xf32, #tpu.memory_space<vmem>>) target(%dma_start3A_59 : memref<8x1024xf32, #tpu.memory_space<hbm>>) target_semaphore(%arg8 : memref<!tpu.dma_semaphore, #tpu.memory_space<semaphore_mem>>)
    %scan3A_63 = arith.constant 0 : i32
    %scan3A_64 = arith.constant 64 : i32
    %scan3A_65 = arith.addi %scan3A_63, %scan3A_64 : i32
    %scan3A_66 = arith.constant 8 : i32
    scf.for %scan3A_96 = %scan3A_63 to %scan3A_65 step %scan3A_66  : i32 {
      %mul3A_97 = arith.constant 1 : i32
      %mul3A_98 = arith.muli %scan3A_96, %mul3A_97 : i32
      %add3A_99 = arith.constant 64 : i32
      %add3A_100 = arith.addi %add3A_99, %mul3A_98 : i32
      %mul3A_101 = arith.constant 16 : i32
      %mul3A_102 = arith.muli %add3A_100, %mul3A_101 : i32
      %get3A = arith.index_cast %mul3A_102 : i32 to index
      %get3A_103 = tpu.vector_load %arg6[%get3A] {strides = array<i32>} : memref<2048xi32, #tpu.memory_space<vmem>>, vector<16xi32>,
      %mul3A_104 = arith.constant 8 : i32
      %mul3A_105 = vector.broadcast %mul3A_104 : i32 to vector<16xi32>
      %mul3A_106 = arith.muli %get3A_103, %mul3A_105 : vector<16xi32>
      %add3A_107 = arith.constant 0 : i32
      %add3A_108 = vector.broadcast %add3A_107 : i32 to vector<16xi32>
      %add3A_109 = arith.addi %mul3A_106, %add3A_108 : vector<16xi32>
      %gather3A = tpu.vector_load_idx %arg5[%add3A_109] : memref<8000xf32, #tpu.memory_space<vmem>>[vector<16xi32>], vector<16xf32>,
      %swap3A = arith.constant 0 : i32
      %swap3A_110 = arith.index_cast %swap3A : i32 to index
      %swap3A_111 = arith.index_cast %mul3A_102 : i32 to index
      %swap3A_112 = tpu.vector_load %arg7[%swap3A_110, %swap3A_111] {strides = array<i32>} : memref<8x2048xf32, #tpu.memory_space<vmem>>, vector<16xf32>,
      tpu.vector_store %arg7[%swap3A_110, %swap3A_111], %gather3A {strides = array<i32>} : memref<8x2048xf32, #tpu.memory_space<vmem>>, vector<16xf32>,
      %add3A_113 = arith.constant 1 : i32
      %add3A_114 = vector.broadcast %add3A_113 : i32 to vector<16xi32>
      %add3A_115 = arith.addi %mul3A_106, %add3A_114 : vector<16xi32>
      %gather3A_116 = tpu.vector_load_idx %arg5[%add3A_115] : memref<8000xf32, #tpu.memory_space<vmem>>[vector<16xi32>], vector<16xf32>,
      %swap3A_117 = arith.constant 1 : i32
      %swap3A_118 = arith.index_cast %swap3A_117 : i32 to index
      %swap3A_119 = arith.index_cast %mul3A_102 : i32 to index
      %swap3A_120 = tpu.vector_load %arg7[%swap3A_118, %swap3A_119] {strides = array<i32>} : memref<8x2048xf32, #tpu.memory_space<vmem>>, vector<16xf32>,
      tpu.vector_store %arg7[%swap3A_118, %swap3A_119], %gather3A_116 {strides = array<i32>} : memref<8x2048xf32, #tpu.memory_space<vmem>>, vector<16xf32>,
      %add3A_121 = arith.constant 2 : i32
      %add3A_122 = vector.broadcast %add3A_121 : i32 to vector<16xi32>
      %add3A_123 = arith.addi %mul3A_106, %add3A_122 : vector<16xi32>
      %gather3A_124 = tpu.vector_load_idx %arg5[%add3A_123] : memref<8000xf32, #tpu.memory_space<vmem>>[vector<16xi32>], vector<16xf32>,
      %swap3A_125 = arith.constant 2 : i32
      %swap3A_126 = arith.index_cast %swap3A_125 : i32 to index
      %swap3A_127 = arith.index_cast %mul3A_102 : i32 to index
      %swap3A_128 = tpu.vector_load %arg7[%swap3A_126, %swap3A_127] {strides = array<i32>} : memref<8x2048xf32, #tpu.memory_space<vmem>>, vector<16xf32>,
      tpu.vector_store %arg7[%swap3A_126, %swap3A_127], %gather3A_124 {strides = array<i32>} : memref<8x2048xf32, #tpu.memory_space<vmem>>, vector<16xf32>,
      %add3A_129 = arith.constant 3 : i32
      %add3A_130 = vector.broadcast %add3A_129 : i32 to vector<16xi32>
      %add3A_131 = arith.addi %mul3A_106, %add3A_130 : vector<16xi32>
      %gather3A_132 = tpu.vector_load_idx %arg5[%add3A_131] : memref<8000xf32, #tpu.memory_space<vmem>>[vector<16xi32>], vector<16xf32>,
      %swap3A_133 = arith.constant 3 : i32
      %swap3A_134 = arith.index_cast %swap3A_133 : i32 to index
      %swap3A_135 = arith.index_cast %mul3A_102 : i32 to index
      %swap3A_136 = tpu.vector_load %arg7[%swap3A_134, %swap3A_135] {strides = array<i32>} : memref<8x2048xf32, #tpu.memory_space<vmem>>, vector<16xf32>,
      tpu.vector_store %arg7[%swap3A_134, %swap3A_135], %gather3A_132 {strides = array<i32>} : memref<8x2048xf32, #tpu.memory_space<vmem>>, vector<16xf32>,
      %add3A_137 = arith.constant 4 : i32
      %add3A_138 = vector.broadcast %add3A_137 : i32 to vector<16xi32>
      %add3A_139 = arith.addi %mul3A_106, %add3A_138 : vector<16xi32>
      %gather3A_140 = tpu.vector_load_idx %arg5[%add3A_139] : memref<8000xf32, #tpu.memory_space<vmem>>[vector<16xi32>], vector<16xf32>,
      %swap3A_141 = arith.constant 4 : i32
      %swap3A_142 = arith.index_cast %swap3A_141 : i32 to index
      %swap3A_143 = arith.index_cast %mul3A_102 : i32 to index
      %swap3A_144 = tpu.vector_load %arg7[%swap3A_142, %swap3A_143] {strides = array<i32>} : memref<8x2048xf32, #tpu.memory_space<vmem>>, vector<16xf32>,
      tpu.vector_store %arg7[%swap3A_142, %swap3A_143], %gather3A_140 {strides = array<i32>} : memref<8x2048xf32, #tpu.memory_space<vmem>>, vector<16xf32>,
      %add3A_145 = arith.constant 5 : i32
      %add3A_146 = vector.broadcast %add3A_145 : i32 to vector<16xi32>
      %add3A_147 = arith.addi %mul3A_106, %add3A_146 : vector<16xi32>
      %gather3A_148 = tpu.vector_load_idx %arg5[%add3A_147] : memref<8000xf32, #tpu.memory_space<vmem>>[vector<16xi32>], vector<16xf32>,
      %swap3A_149 = arith.constant 5 : i32
      %swap3A_150 = arith.index_cast %swap3A_149 : i32 to index
      %swap3A_151 = arith.index_cast %mul3A_102 : i32 to index
      %swap3A_152 = tpu.vector_load %arg7[%swap3A_150, %swap3A_151] {strides = array<i32>} : memref<8x2048xf32, #tpu.memory_space<vmem>>, vector<16xf32>,
      tpu.vector_store %arg7[%swap3A_150, %swap3A_151], %gather3A_148 {strides = array<i32>} : memref<8x2048xf32, #tpu.memory_space<vmem>>, vector<16xf32>,
      %add3A_153 = arith.constant 6 : i32
      %add3A_154 = vector.broadcast %add3A_153 : i32 to vector<16xi32>
      %add3A_155 = arith.addi %mul3A_106, %add3A_154 : vector<16xi32>
      %gather3A_156 = tpu.vector_load_idx %arg5[%add3A_155] : memref<8000xf32, #tpu.memory_space<vmem>>[vector<16xi32>], vector<16xf32>,
      %swap3A_157 = arith.constant 6 : i32
      %swap3A_158 = arith.index_cast %swap3A_157 : i32 to index
      %swap3A_159 = arith.index_cast %mul3A_102 : i32 to index
      %swap3A_160 = tpu.vector_load %arg7[%swap3A_158, %swap3A_159] {strides = array<i32>} : memref<8x2048xf32, #tpu.memory_space<vmem>>, vector<16xf32>,
      tpu.vector_store %arg7[%swap3A_158, %swap3A_159], %gather3A_156 {strides = array<i32>} : memref<8x2048xf32, #tpu.memory_space<vmem>>, vector<16xf32>,
      %add3A_161 = arith.constant 7 : i32
      %add3A_162 = vector.broadcast %add3A_161 : i32 to vector<16xi32>
      %add3A_163 = arith.addi %mul3A_106, %add3A_162 : vector<16xi32>
      %gather3A_164 = tpu.vector_load_idx %arg5[%add3A_163] : memref<8000xf32, #tpu.memory_space<vmem>>[vector<16xi32>], vector<16xf32>,
      %swap3A_165 = arith.constant 7 : i32
      %swap3A_166 = arith.index_cast %swap3A_165 : i32 to index
      %swap3A_167 = arith.index_cast %mul3A_102 : i32 to index
      %swap3A_168 = tpu.vector_load %arg7[%swap3A_166, %swap3A_167] {strides = array<i32>} : memref<8x2048xf32, #tpu.memory_space<vmem>>, vector<16xf32>,
      tpu.vector_store %arg7[%swap3A_166, %swap3A_167], %gather3A_164 {strides = array<i32>} : memref<8x2048xf32, #tpu.memory_space<vmem>>, vector<16xf32>,
      %scan3A_169 = arith.constant 1 : i32
      %scan3A_170 = arith.addi %scan3A_96, %scan3A_169 : i32
      %mul3A_171 = arith.constant 1 : i32
      %mul3A_172 = arith.muli %scan3A_170, %mul3A_171 : i32
      %add3A_173 = arith.constant 64 : i32
      %add3A_174 = arith.addi %add3A_173, %mul3A_172 : i32
      %mul3A_175 = arith.constant 16 : i32
      %mul3A_176 = arith.muli %add3A_174, %mul3A_175 : i32
      %get3A_177 = arith.index_cast %mul3A_176 : i32 to index
      %get3A_178 = tpu.vector_load %arg6[%get3A_177] {strides = array<i32>} : memref<2048xi32, #tpu.memory_space<vmem>>, vector<16xi32>,
      %mul3A_179 = arith.constant 8 : i32
      %mul3A_180 = vector.broadcast %mul3A_179 : i32 to vector<16xi32>
      %mul3A_181 = arith.muli %get3A_178, %mul3A_180 : vector<16xi32>
      %add3A_182 = arith.constant 0 : i32
      %add3A_183 = vector.broadcast %add3A_182 : i32 to vector<16xi32>
      %add3A_184 = arith.addi %mul3A_181, %add3A_183 : vector<16xi32>
      %gather3A_185 = tpu.vector_load_idx %arg5[%add3A_184] : memref<8000xf32, #tpu.memory_space<vmem>>[vector<16xi32>], vector<16xf32>,
      %swap3A_186 = arith.constant 0 : i32
      %swap3A_187 = arith.index_cast %swap3A_186 : i32 to index
      %swap3A_188 = arith.index_cast %mul3A_176 : i32 to index
      %swap3A_189 = tpu.vector_load %arg7[%swap3A_187, %swap3A_188] {strides = array<i32>} : memref<8x2048xf32, #tpu.memory_space<vmem>>, vector<16xf32>,
      tpu.vector_store %arg7[%swap3A_187, %swap3A_188], %gather3A_185 {strides = array<i32>} : memref<8x2048xf32, #tpu.memory_space<vmem>>, vector<16xf32>,
      %add3A_190 = arith.constant 1 : i32
      %add3A_191 = vector.broadcast %add3A_190 : i32 to vector<16xi32>
      %add3A_192 = arith.addi %mul3A_181, %add3A_191 : vector<16xi32>
      %gather3A_193 = tpu.vector_load_idx %arg5[%add3A_192] : memref<8000xf32, #tpu.memory_space<vmem>>[vector<16xi32>], vector<16xf32>,
      %swap3A_194 = arith.constant 1 : i32
      %swap3A_195 = arith.index_cast %swap3A_194 : i32 to index
      %swap3A_196 = arith.index_cast %mul3A_176 : i32 to index
      %swap3A_197 = tpu.vector_load %arg7[%swap3A_195, %swap3A_196] {strides = array<i32>} : memref<8x2048xf32, #tpu.memory_space<vmem>>, vector<16xf32>,
      tpu.vector_store %arg7[%swap3A_195, %swap3A_196], %gather3A_193 {strides = array<i32>} : memref<8x2048xf32, #tpu.memory_space<vmem>>, vector<16xf32>,
      %add3A_198 = arith.constant 2 : i32
      %add3A_199 = vector.broadcast %add3A_198 : i32 to vector<16xi32>
      %add3A_200 = arith.addi %mul3A_181, %add3A_199 : vector<16xi32>
      %gather3A_201 = tpu.vector_load_idx %arg5[%add3A_200] : memref<8000xf32, #tpu.memory_space<vmem>>[vector<16xi32>], vector<16xf32>,
      %swap3A_202 = arith.constant 2 : i32
      %swap3A_203 = arith.index_cast %swap3A_202 : i32 to index
      %swap3A_204 = arith.index_cast %mul3A_176 : i32 to index
      %swap3A_205 = tpu.vector_load %arg7[%swap3A_203, %swap3A_204] {strides = array<i32>} : memref<8x2048xf32, #tpu.memory_space<vmem>>, vector<16xf32>,
      tpu.vector_store %arg7[%swap3A_203, %swap3A_204], %gather3A_201 {strides = array<i32>} : memref<8x2048xf32, #tpu.memory_space<vmem>>, vector<16xf32>,
      %add3A_206 = arith.constant 3 : i32
      %add3A_207 = vector.broadcast %add3A_206 : i32 to vector<16xi32>
      %add3A_208 = arith.addi %mul3A_181, %add3A_207 : vector<16xi32>
      %gather3A_209 = tpu.vector_load_idx %arg5[%add3A_208] : memref<8000xf32, #tpu.memory_space<vmem>>[vector<16xi32>], vector<16xf32>,
      %swap3A_210 = arith.constant 3 : i32
      %swap3A_211 = arith.index_cast %swap3A_210 : i32 to index
      %swap3A_212 = arith.index_cast %mul3A_176 : i32 to index
      %swap3A_213 = tpu.vector_load %arg7[%swap3A_211, %swap3A_212] {strides = array<i32>} : memref<8x2048xf32, #tpu.memory_space<vmem>>, vector<16xf32>,
      tpu.vector_store %arg7[%swap3A_211, %swap3A_212], %gather3A_209 {strides = array<i32>} : memref<8x2048xf32, #tpu.memory_space<vmem>>, vector<16xf32>,
      %add3A_214 = arith.constant 4 : i32
      %add3A_215 = vector.broadcast %add3A_214 : i32 to vector<16xi32>
      %add3A_216 = arith.addi %mul3A_181, %add3A_215 : vector<16xi32>
      %gather3A_217 = tpu.vector_load_idx %arg5[%add3A_216] : memref<8000xf32, #tpu.memory_space<vmem>>[vector<16xi32>], vector<16xf32>,
      %swap3A_218 = arith.constant 4 : i32
      %swap3A_219 = arith.index_cast %swap3A_218 : i32 to index
      %swap3A_220 = arith.index_cast %mul3A_176 : i32 to index
      %swap3A_221 = tpu.vector_load %arg7[%swap3A_219, %swap3A_220] {strides = array<i32>} : memref<8x2048xf32, #tpu.memory_space<vmem>>, vector<16xf32>,
      tpu.vector_store %arg7[%swap3A_219, %swap3A_220], %gather3A_217 {strides = array<i32>} : memref<8x2048xf32, #tpu.memory_space<vmem>>, vector<16xf32>,
      %add3A_222 = arith.constant 5 : i32
      %add3A_223 = vector.broadcast %add3A_222 : i32 to vector<16xi32>
      %add3A_224 = arith.addi %mul3A_181, %add3A_223 : vector<16xi32>
      %gather3A_225 = tpu.vector_load_idx %arg5[%add3A_224] : memref<8000xf32, #tpu.memory_space<vmem>>[vector<16xi32>], vector<16xf32>,
      %swap3A_226 = arith.constant 5 : i32
      %swap3A_227 = arith.index_cast %swap3A_226 : i32 to index
      %swap3A_228 = arith.index_cast %mul3A_176 : i32 to index
      %swap3A_229 = tpu.vector_load %arg7[%swap3A_227, %swap3A_228] {strides = array<i32>} : memref<8x2048xf32, #tpu.memory_space<vmem>>, vector<16xf32>,
      tpu.vector_store %arg7[%swap3A_227, %swap3A_228], %gather3A_225 {strides = array<i32>} : memref<8x2048xf32, #tpu.memory_space<vmem>>, vector<16xf32>,
      %add3A_230 = arith.constant 6 : i32
      %add3A_231 = vector.broadcast %add3A_230 : i32 to vector<16xi32>
      %add3A_232 = arith.addi %mul3A_181, %add3A_231 : vector<16xi32>
      %gather3A_233 = tpu.vector_load_idx %arg5[%add3A_232] : memref<8000xf32, #tpu.memory_space<vmem>>[vector<16xi32>], vector<16xf32>,
      %swap3A_234 = arith.constant 6 : i32
      %swap3A_235 = arith.index_cast %swap3A_234 : i32 to index
      %swap3A_236 = arith.index_cast %mul3A_176 : i32 to index
      %swap3A_237 = tpu.vector_load %arg7[%swap3A_235, %swap3A_236] {strides = array<i32>} : memref<8x2048xf32, #tpu.memory_space<vmem>>, vector<16xf32>,
      tpu.vector_store %arg7[%swap3A_235, %swap3A_236], %gather3A_233 {strides = array<i32>} : memref<8x2048xf32, #tpu.memory_space<vmem>>, vector<16xf32>,
      %add3A_238 = arith.constant 7 : i32
      %add3A_239 = vector.broadcast %add3A_238 : i32 to vector<16xi32>
      %add3A_240 = arith.addi %mul3A_181, %add3A_239 : vector<16xi32>
      %gather3A_241 = tpu.vector_load_idx %arg5[%add3A_240] : memref<8000xf32, #tpu.memory_space<vmem>>[vector<16xi32>], vector<16xf32>,
      %swap3A_242 = arith.constant 7 : i32
      %swap3A_243 = arith.index_cast %swap3A_242 : i32 to index
      %swap3A_244 = arith.index_cast %mul3A_176 : i32 to index
      %swap3A_245 = tpu.vector_load %arg7[%swap3A_243, %swap3A_244] {strides = array<i32>} : memref<8x2048xf32, #tpu.memory_space<vmem>>, vector<16xf32>,
      tpu.vector_store %arg7[%swap3A_243, %swap3A_244], %gather3A_241 {strides = array<i32>} : memref<8x2048xf32, #tpu.memory_space<vmem>>, vector<16xf32>,
      %scan3A_246 = arith.constant 2 : i32
      %scan3A_247 = arith.addi %scan3A_96, %scan3A_246 : i32
      %mul3A_248 = arith.constant 1 : i32
      %mul3A_249 = arith.muli %scan3A_247, %mul3A_248 : i32
      %add3A_250 = arith.constant 64 : i32
      %add3A_251 = arith.addi %add3A_250, %mul3A_249 : i32
      %mul3A_252 = arith.constant 16 : i32
      %mul3A_253 = arith.muli %add3A_251, %mul3A_252 : i32
      %get3A_254 = arith.index_cast %mul3A_253 : i32 to index
      %get3A_255 = tpu.vector_load %arg6[%get3A_254] {strides = array<i32>} : memref<2048xi32, #tpu.memory_space<vmem>>, vector<16xi32>,
      %mul3A_256 = arith.constant 8 : i32
      %mul3A_257 = vector.broadcast %mul3A_256 : i32 to vector<16xi32>
      %mul3A_258 = arith.muli %get3A_255, %mul3A_257 : vector<16xi32>
      %add3A_259 = arith.constant 0 : i32
      %add3A_260 = vector.broadcast %add3A_259 : i32 to vector<16xi32>
      %add3A_261 = arith.addi %mul3A_258, %add3A_260 : vector<16xi32>
      %gather3A_262 = tpu.vector_load_idx %arg5[%add3A_261] : memref<8000xf32, #tpu.memory_space<vmem>>[vector<16xi32>], vector<16xf32>,
      %swap3A_263 = arith.constant 0 : i32
      %swap3A_264 = arith.index_cast %swap3A_263 : i32 to index
      %swap3A_265 = arith.index_cast %mul3A_253 : i32 to index
      %swap3A_266 = tpu.vector_load %arg7[%swap3A_264, %swap3A_265] {strides = array<i32>} : memref<8x2048xf32, #tpu.memory_space<vmem>>, vector<16xf32>,
      tpu.vector_store %arg7[%swap3A_264, %swap3A_265], %gather3A_262 {strides = array<i32>} : memref<8x2048xf32, #tpu.memory_space<vmem>>, vector<16xf32>,
      %add3A_267 = arith.constant 1 : i32
      %add3A_268 = vector.broadcast %add3A_267 : i32 to vector<16xi32>
      %add3A_269 = arith.addi %mul3A_258, %add3A_268 : vector<16xi32>
      %gather3A_270 = tpu.vector_load_idx %arg5[%add3A_269] : memref<8000xf32, #tpu.memory_space<vmem>>[vector<16xi32>], vector<16xf32>,
      %swap3A_271 = arith.constant 1 : i32
      %swap3A_272 = arith.index_cast %swap3A_271 : i32 to index
      %swap3A_273 = arith.index_cast %mul3A_253 : i32 to index
      %swap3A_274 = tpu.vector_load %arg7[%swap3A_272, %swap3A_273] {strides = array<i32>} : memref<8x2048xf32, #tpu.memory_space<vmem>>, vector<16xf32>,
      tpu.vector_store %arg7[%swap3A_272, %swap3A_273], %gather3A_270 {strides = array<i32>} : memref<8x2048xf32, #tpu.memory_space<vmem>>, vector<16xf32>,
      %add3A_275 = arith.constant 2 : i32
      %add3A_276 = vector.broadcast %add3A_275 : i32 to vector<16xi32>
      %add3A_277 = arith.addi %mul3A_258, %add3A_276 : vector<16xi32>
      %gather3A_278 = tpu.vector_load_idx %arg5[%add3A_277] : memref<8000xf32, #tpu.memory_space<vmem>>[vector<16xi32>], vector<16xf32>,
      %swap3A_279 = arith.constant 2 : i32
      %swap3A_280 = arith.index_cast %swap3A_279 : i32 to index
      %swap3A_281 = arith.index_cast %mul3A_253 : i32 to index
      %swap3A_282 = tpu.vector_load %arg7[%swap3A_280, %swap3A_281] {strides = array<i32>} : memref<8x2048xf32, #tpu.memory_space<vmem>>, vector<16xf32>,
      tpu.vector_store %arg7[%swap3A_280, %swap3A_281], %gather3A_278 {strides = array<i32>} : memref<8x2048xf32, #tpu.memory_space<vmem>>, vector<16xf32>,
      %add3A_283 = arith.constant 3 : i32
      %add3A_284 = vector.broadcast %add3A_283 : i32 to vector<16xi32>
      %add3A_285 = arith.addi %mul3A_258, %add3A_284 : vector<16xi32>
      %gather3A_286 = tpu.vector_load_idx %arg5[%add3A_285] : memref<8000xf32, #tpu.memory_space<vmem>>[vector<16xi32>], vector<16xf32>,
      %swap3A_287 = arith.constant 3 : i32
      %swap3A_288 = arith.index_cast %swap3A_287 : i32 to index
      %swap3A_289 = arith.index_cast %mul3A_253 : i32 to index
      %swap3A_290 = tpu.vector_load %arg7[%swap3A_288, %swap3A_289] {strides = array<i32>} : memref<8x2048xf32, #tpu.memory_space<vmem>>, vector<16xf32>,
      tpu.vector_store %arg7[%swap3A_288, %swap3A_289], %gather3A_286 {strides = array<i32>} : memref<8x2048xf32, #tpu.memory_space<vmem>>, vector<16xf32>,
      %add3A_291 = arith.constant 4 : i32
      %add3A_292 = vector.broadcast %add3A_291 : i32 to vector<16xi32>
      %add3A_293 = arith.addi %mul3A_258, %add3A_292 : vector<16xi32>
      %gather3A_294 = tpu.vector_load_idx %arg5[%add3A_293] : memref<8000xf32, #tpu.memory_space<vmem>>[vector<16xi32>], vector<16xf32>,
      %swap3A_295 = arith.constant 4 : i32
      %swap3A_296 = arith.index_cast %swap3A_295 : i32 to index
      %swap3A_297 = arith.index_cast %mul3A_253 : i32 to index
      %swap3A_298 = tpu.vector_load %arg7[%swap3A_296, %swap3A_297] {strides = array<i32>} : memref<8x2048xf32, #tpu.memory_space<vmem>>, vector<16xf32>,
      tpu.vector_store %arg7[%swap3A_296, %swap3A_297], %gather3A_294 {strides = array<i32>} : memref<8x2048xf32, #tpu.memory_space<vmem>>, vector<16xf32>,
      %add3A_299 = arith.constant 5 : i32
      %add3A_300 = vector.broadcast %add3A_299 : i32 to vector<16xi32>
      %add3A_301 = arith.addi %mul3A_258, %add3A_300 : vector<16xi32>
      %gather3A_302 = tpu.vector_load_idx %arg5[%add3A_301] : memref<8000xf32, #tpu.memory_space<vmem>>[vector<16xi32>], vector<16xf32>,
      %swap3A_303 = arith.constant 5 : i32
      %swap3A_304 = arith.index_cast %swap3A_303 : i32 to index
      %swap3A_305 = arith.index_cast %mul3A_253 : i32 to index
      %swap3A_306 = tpu.vector_load %arg7[%swap3A_304, %swap3A_305] {strides = array<i32>} : memref<8x2048xf32, #tpu.memory_space<vmem>>, vector<16xf32>,
      tpu.vector_store %arg7[%swap3A_304, %swap3A_305], %gather3A_302 {strides = array<i32>} : memref<8x2048xf32, #tpu.memory_space<vmem>>, vector<16xf32>,
      %add3A_307 = arith.constant 6 : i32
      %add3A_308 = vector.broadcast %add3A_307 : i32 to vector<16xi32>
      %add3A_309 = arith.addi %mul3A_258, %add3A_308 : vector<16xi32>
      %gather3A_310 = tpu.vector_load_idx %arg5[%add3A_309] : memref<8000xf32, #tpu.memory_space<vmem>>[vector<16xi32>], vector<16xf32>,
      %swap3A_311 = arith.constant 6 : i32
      %swap3A_312 = arith.index_cast %swap3A_311 : i32 to index
      %swap3A_313 = arith.index_cast %mul3A_253 : i32 to index
      %swap3A_314 = tpu.vector_load %arg7[%swap3A_312, %swap3A_313] {strides = array<i32>} : memref<8x2048xf32, #tpu.memory_space<vmem>>, vector<16xf32>,
      tpu.vector_store %arg7[%swap3A_312, %swap3A_313], %gather3A_310 {strides = array<i32>} : memref<8x2048xf32, #tpu.memory_space<vmem>>, vector<16xf32>,
      %add3A_315 = arith.constant 7 : i32
      %add3A_316 = vector.broadcast %add3A_315 : i32 to vector<16xi32>
      %add3A_317 = arith.addi %mul3A_258, %add3A_316 : vector<16xi32>
      %gather3A_318 = tpu.vector_load_idx %arg5[%add3A_317] : memref<8000xf32, #tpu.memory_space<vmem>>[vector<16xi32>], vector<16xf32>,
      %swap3A_319 = arith.constant 7 : i32
      %swap3A_320 = arith.index_cast %swap3A_319 : i32 to index
      %swap3A_321 = arith.index_cast %mul3A_253 : i32 to index
      %swap3A_322 = tpu.vector_load %arg7[%swap3A_320, %swap3A_321] {strides = array<i32>} : memref<8x2048xf32, #tpu.memory_space<vmem>>, vector<16xf32>,
      tpu.vector_store %arg7[%swap3A_320, %swap3A_321], %gather3A_318 {strides = array<i32>} : memref<8x2048xf32, #tpu.memory_space<vmem>>, vector<16xf32>,
      %scan3A_323 = arith.constant 3 : i32
      %scan3A_324 = arith.addi %scan3A_96, %scan3A_323 : i32
      %mul3A_325 = arith.constant 1 : i32
      %mul3A_326 = arith.muli %scan3A_324, %mul3A_325 : i32
      %add3A_327 = arith.constant 64 : i32
      %add3A_328 = arith.addi %add3A_327, %mul3A_326 : i32
      %mul3A_329 = arith.constant 16 : i32
      %mul3A_330 = arith.muli %add3A_328, %mul3A_329 : i32
      %get3A_331 = arith.index_cast %mul3A_330 : i32 to index
      %get3A_332 = tpu.vector_load %arg6[%get3A_331] {strides = array<i32>} : memref<2048xi32, #tpu.memory_space<vmem>>, vector<16xi32>,
      %mul3A_333 = arith.constant 8 : i32
      %mul3A_334 = vector.broadcast %mul3A_333 : i32 to vector<16xi32>
      %mul3A_335 = arith.muli %get3A_332, %mul3A_334 : vector<16xi32>
      %add3A_336 = arith.constant 0 : i32
      %add3A_337 = vector.broadcast %add3A_336 : i32 to vector<16xi32>
      %add3A_338 = arith.addi %mul3A_335, %add3A_337 : vector<16xi32>
      %gather3A_339 = tpu.vector_load_idx %arg5[%add3A_338] : memref<8000xf32, #tpu.memory_space<vmem>>[vector<16xi32>], vector<16xf32>,
      %swap3A_340 = arith.constant 0 : i32
      %swap3A_341 = arith.index_cast %swap3A_340 : i32 to index
      %swap3A_342 = arith.index_cast %mul3A_330 : i32 to index
      %swap3A_343 = tpu.vector_load %arg7[%swap3A_341, %swap3A_342] {strides = array<i32>} : memref<8x2048xf32, #tpu.memory_space<vmem>>, vector<16xf32>,
      tpu.vector_store %arg7[%swap3A_341, %swap3A_342], %gather3A_339 {strides = array<i32>} : memref<8x2048xf32, #tpu.memory_space<vmem>>, vector<16xf32>,
      %add3A_344 = arith.constant 1 : i32
      %add3A_345 = vector.broadcast %add3A_344 : i32 to vector<16xi32>
      %add3A_346 = arith.addi %mul3A_335, %add3A_345 : vector<16xi32>
      %gather3A_347 = tpu.vector_load_idx %arg5[%add3A_346] : memref<8000xf32, #tpu.memory_space<vmem>>[vector<16xi32>], vector<16xf32>,
      %swap3A_348 = arith.constant 1 : i32
      %swap3A_349 = arith.index_cast %swap3A_348 : i32 to index
      %swap3A_350 = arith.index_cast %mul3A_330 : i32 to index
      %swap3A_351 = tpu.vector_load %arg7[%swap3A_349, %swap3A_350] {strides = array<i32>} : memref<8x2048xf32, #tpu.memory_space<vmem>>, vector<16xf32>,
      tpu.vector_store %arg7[%swap3A_349, %swap3A_350], %gather3A_347 {strides = array<i32>} : memref<8x2048xf32, #tpu.memory_space<vmem>>, vector<16xf32>,
      %add3A_352 = arith.constant 2 : i32
      %add3A_353 = vector.broadcast %add3A_352 : i32 to vector<16xi32>
      %add3A_354 = arith.addi %mul3A_335, %add3A_353 : vector<16xi32>
      %gather3A_355 = tpu.vector_load_idx %arg5[%add3A_354] : memref<8000xf32, #tpu.memory_space<vmem>>[vector<16xi32>], vector<16xf32>,
      %swap3A_356 = arith.constant 2 : i32
      %swap3A_357 = arith.index_cast %swap3A_356 : i32 to index
      %swap3A_358 = arith.index_cast %mul3A_330 : i32 to index
      %swap3A_359 = tpu.vector_load %arg7[%swap3A_357, %swap3A_358] {strides = array<i32>} : memref<8x2048xf32, #tpu.memory_space<vmem>>, vector<16xf32>,
      tpu.vector_store %arg7[%swap3A_357, %swap3A_358], %gather3A_355 {strides = array<i32>} : memref<8x2048xf32, #tpu.memory_space<vmem>>, vector<16xf32>,
      %add3A_360 = arith.constant 3 : i32
      %add3A_361 = vector.broadcast %add3A_360 : i32 to vector<16xi32>
      %add3A_362 = arith.addi %mul3A_335, %add3A_361 : vector<16xi32>
      %gather3A_363 = tpu.vector_load_idx %arg5[%add3A_362] : memref<8000xf32, #tpu.memory_space<vmem>>[vector<16xi32>], vector<16xf32>,
      %swap3A_364 = arith.constant 3 : i32
      %swap3A_365 = arith.index_cast %swap3A_364 : i32 to index
      %swap3A_366 = arith.index_cast %mul3A_330 : i32 to index
      %swap3A_367 = tpu.vector_load %arg7[%swap3A_365, %swap3A_366] {strides = array<i32>} : memref<8x2048xf32, #tpu.memory_space<vmem>>, vector<16xf32>,
      tpu.vector_store %arg7[%swap3A_365, %swap3A_366], %gather3A_363 {strides = array<i32>} : memref<8x2048xf32, #tpu.memory_space<vmem>>, vector<16xf32>,
      %add3A_368 = arith.constant 4 : i32
      %add3A_369 = vector.broadcast %add3A_368 : i32 to vector<16xi32>
      %add3A_370 = arith.addi %mul3A_335, %add3A_369 : vector<16xi32>
      %gather3A_371 = tpu.vector_load_idx %arg5[%add3A_370] : memref<8000xf32, #tpu.memory_space<vmem>>[vector<16xi32>], vector<16xf32>,
      %swap3A_372 = arith.constant 4 : i32
      %swap3A_373 = arith.index_cast %swap3A_372 : i32 to index
      %swap3A_374 = arith.index_cast %mul3A_330 : i32 to index
      %swap3A_375 = tpu.vector_load %arg7[%swap3A_373, %swap3A_374] {strides = array<i32>} : memref<8x2048xf32, #tpu.memory_space<vmem>>, vector<16xf32>,
      tpu.vector_store %arg7[%swap3A_373, %swap3A_374], %gather3A_371 {strides = array<i32>} : memref<8x2048xf32, #tpu.memory_space<vmem>>, vector<16xf32>,
      %add3A_376 = arith.constant 5 : i32
      %add3A_377 = vector.broadcast %add3A_376 : i32 to vector<16xi32>
      %add3A_378 = arith.addi %mul3A_335, %add3A_377 : vector<16xi32>
      %gather3A_379 = tpu.vector_load_idx %arg5[%add3A_378] : memref<8000xf32, #tpu.memory_space<vmem>>[vector<16xi32>], vector<16xf32>,
      %swap3A_380 = arith.constant 5 : i32
      %swap3A_381 = arith.index_cast %swap3A_380 : i32 to index
      %swap3A_382 = arith.index_cast %mul3A_330 : i32 to index
      %swap3A_383 = tpu.vector_load %arg7[%swap3A_381, %swap3A_382] {strides = array<i32>} : memref<8x2048xf32, #tpu.memory_space<vmem>>, vector<16xf32>,
      tpu.vector_store %arg7[%swap3A_381, %swap3A_382], %gather3A_379 {strides = array<i32>} : memref<8x2048xf32, #tpu.memory_space<vmem>>, vector<16xf32>,
      %add3A_384 = arith.constant 6 : i32
      %add3A_385 = vector.broadcast %add3A_384 : i32 to vector<16xi32>
      %add3A_386 = arith.addi %mul3A_335, %add3A_385 : vector<16xi32>
      %gather3A_387 = tpu.vector_load_idx %arg5[%add3A_386] : memref<8000xf32, #tpu.memory_space<vmem>>[vector<16xi32>], vector<16xf32>,
      %swap3A_388 = arith.constant 6 : i32
      %swap3A_389 = arith.index_cast %swap3A_388 : i32 to index
      %swap3A_390 = arith.index_cast %mul3A_330 : i32 to index
      %swap3A_391 = tpu.vector_load %arg7[%swap3A_389, %swap3A_390] {strides = array<i32>} : memref<8x2048xf32, #tpu.memory_space<vmem>>, vector<16xf32>,
      tpu.vector_store %arg7[%swap3A_389, %swap3A_390], %gather3A_387 {strides = array<i32>} : memref<8x2048xf32, #tpu.memory_space<vmem>>, vector<16xf32>,
      %add3A_392 = arith.constant 7 : i32
      %add3A_393 = vector.broadcast %add3A_392 : i32 to vector<16xi32>
      %add3A_394 = arith.addi %mul3A_335, %add3A_393 : vector<16xi32>
      %gather3A_395 = tpu.vector_load_idx %arg5[%add3A_394] : memref<8000xf32, #tpu.memory_space<vmem>>[vector<16xi32>], vector<16xf32>,
      %swap3A_396 = arith.constant 7 : i32
      %swap3A_397 = arith.index_cast %swap3A_396 : i32 to index
      %swap3A_398 = arith.index_cast %mul3A_330 : i32 to index
      %swap3A_399 = tpu.vector_load %arg7[%swap3A_397, %swap3A_398] {strides = array<i32>} : memref<8x2048xf32, #tpu.memory_space<vmem>>, vector<16xf32>,
      tpu.vector_store %arg7[%swap3A_397, %swap3A_398], %gather3A_395 {strides = array<i32>} : memref<8x2048xf32, #tpu.memory_space<vmem>>, vector<16xf32>,
      %scan3A_400 = arith.constant 4 : i32
      %scan3A_401 = arith.addi %scan3A_96, %scan3A_400 : i32
      %mul3A_402 = arith.constant 1 : i32
      %mul3A_403 = arith.muli %scan3A_401, %mul3A_402 : i32
      %add3A_404 = arith.constant 64 : i32
      %add3A_405 = arith.addi %add3A_404, %mul3A_403 : i32
      %mul3A_406 = arith.constant 16 : i32
      %mul3A_407 = arith.muli %add3A_405, %mul3A_406 : i32
      %get3A_408 = arith.index_cast %mul3A_407 : i32 to index
      %get3A_409 = tpu.vector_load %arg6[%get3A_408] {strides = array<i32>} : memref<2048xi32, #tpu.memory_space<vmem>>, vector<16xi32>,
      %mul3A_410 = arith.constant 8 : i32
      %mul3A_411 = vector.broadcast %mul3A_410 : i32 to vector<16xi32>
      %mul3A_412 = arith.muli %get3A_409, %mul3A_411 : vector<16xi32>
      %add3A_413 = arith.constant 0 : i32
      %add3A_414 = vector.broadcast %add3A_413 : i32 to vector<16xi32>
      %add3A_415 = arith.addi %mul3A_412, %add3A_414 : vector<16xi32>
      %gather3A_416 = tpu.vector_load_idx %arg5[%add3A_415] : memref<8000xf32, #tpu.memory_space<vmem>>[vector<16xi32>], vector<16xf32>,
      %swap3A_417 = arith.constant 0 : i32
      %swap3A_418 = arith.index_cast %swap3A_417 : i32 to index
      %swap3A_419 = arith.index_cast %mul3A_407 : i32 to index
      %swap3A_420 = tpu.vector_load %arg7[%swap3A_418, %swap3A_419] {strides = array<i32>} : memref<8x2048xf32, #tpu.memory_space<vmem>>, vector<16xf32>,
      tpu.vector_store %arg7[%swap3A_418, %swap3A_419], %gather3A_416 {strides = array<i32>} : memref<8x2048xf32, #tpu.memory_space<vmem>>, vector<16xf32>,
      %add3A_421 = arith.constant 1 : i32
      %add3A_422 = vector.broadcast %add3A_421 : i32 to vector<16xi32>
      %add3A_423 = arith.addi %mul3A_412, %add3A_422 : vector<16xi32>
      %gather3A_424 = tpu.vector_load_idx %arg5[%add3A_423] : memref<8000xf32, #tpu.memory_space<vmem>>[vector<16xi32>], vector<16xf32>,
      %swap3A_425 = arith.constant 1 : i32
      %swap3A_426 = arith.index_cast %swap3A_425 : i32 to index
      %swap3A_427 = arith.index_cast %mul3A_407 : i32 to index
      %swap3A_428 = tpu.vector_load %arg7[%swap3A_426, %swap3A_427] {strides = array<i32>} : memref<8x2048xf32, #tpu.memory_space<vmem>>, vector<16xf32>,
      tpu.vector_store %arg7[%swap3A_426, %swap3A_427], %gather3A_424 {strides = array<i32>} : memref<8x2048xf32, #tpu.memory_space<vmem>>, vector<16xf32>,
      %add3A_429 = arith.constant 2 : i32
      %add3A_430 = vector.broadcast %add3A_429 : i32 to vector<16xi32>
      %add3A_431 = arith.addi %mul3A_412, %add3A_430 : vector<16xi32>
      %gather3A_432 = tpu.vector_load_idx %arg5[%add3A_431] : memref<8000xf32, #tpu.memory_space<vmem>>[vector<16xi32>], vector<16xf32>,
      %swap3A_433 = arith.constant 2 : i32
      %swap3A_434 = arith.index_cast %swap3A_433 : i32 to index
      %swap3A_435 = arith.index_cast %mul3A_407 : i32 to index
      %swap3A_436 = tpu.vector_load %arg7[%swap3A_434, %swap3A_435] {strides = array<i32>} : memref<8x2048xf32, #tpu.memory_space<vmem>>, vector<16xf32>,
      tpu.vector_store %arg7[%swap3A_434, %swap3A_435], %gather3A_432 {strides = array<i32>} : memref<8x2048xf32, #tpu.memory_space<vmem>>, vector<16xf32>,
      %add3A_437 = arith.constant 3 : i32
      %add3A_438 = vector.broadcast %add3A_437 : i32 to vector<16xi32>
      %add3A_439 = arith.addi %mul3A_412, %add3A_438 : vector<16xi32>
      %gather3A_440 = tpu.vector_load_idx %arg5[%add3A_439] : memref<8000xf32, #tpu.memory_space<vmem>>[vector<16xi32>], vector<16xf32>,
      %swap3A_441 = arith.constant 3 : i32
      %swap3A_442 = arith.index_cast %swap3A_441 : i32 to index
      %swap3A_443 = arith.index_cast %mul3A_407 : i32 to index
      %swap3A_444 = tpu.vector_load %arg7[%swap3A_442, %swap3A_443] {strides = array<i32>} : memref<8x2048xf32, #tpu.memory_space<vmem>>, vector<16xf32>,
      tpu.vector_store %arg7[%swap3A_442, %swap3A_443], %gather3A_440 {strides = array<i32>} : memref<8x2048xf32, #tpu.memory_space<vmem>>, vector<16xf32>,
      %add3A_445 = arith.constant 4 : i32
      %add3A_446 = vector.broadcast %add3A_445 : i32 to vector<16xi32>
      %add3A_447 = arith.addi %mul3A_412, %add3A_446 : vector<16xi32>
      %gather3A_448 = tpu.vector_load_idx %arg5[%add3A_447] : memref<8000xf32, #tpu.memory_space<vmem>>[vector<16xi32>], vector<16xf32>,
      %swap3A_449 = arith.constant 4 : i32
      %swap3A_450 = arith.index_cast %swap3A_449 : i32 to index
      %swap3A_451 = arith.index_cast %mul3A_407 : i32 to index
      %swap3A_452 = tpu.vector_load %arg7[%swap3A_450, %swap3A_451] {strides = array<i32>} : memref<8x2048xf32, #tpu.memory_space<vmem>>, vector<16xf32>,
      tpu.vector_store %arg7[%swap3A_450, %swap3A_451], %gather3A_448 {strides = array<i32>} : memref<8x2048xf32, #tpu.memory_space<vmem>>, vector<16xf32>,
      %add3A_453 = arith.constant 5 : i32
      %add3A_454 = vector.broadcast %add3A_453 : i32 to vector<16xi32>
      %add3A_455 = arith.addi %mul3A_412, %add3A_454 : vector<16xi32>
      %gather3A_456 = tpu.vector_load_idx %arg5[%add3A_455] : memref<8000xf32, #tpu.memory_space<vmem>>[vector<16xi32>], vector<16xf32>,
      %swap3A_457 = arith.constant 5 : i32
      %swap3A_458 = arith.index_cast %swap3A_457 : i32 to index
      %swap3A_459 = arith.index_cast %mul3A_407 : i32 to index
      %swap3A_460 = tpu.vector_load %arg7[%swap3A_458, %swap3A_459] {strides = array<i32>} : memref<8x2048xf32, #tpu.memory_space<vmem>>, vector<16xf32>,
      tpu.vector_store %arg7[%swap3A_458, %swap3A_459], %gather3A_456 {strides = array<i32>} : memref<8x2048xf32, #tpu.memory_space<vmem>>, vector<16xf32>,
      %add3A_461 = arith.constant 6 : i32
      %add3A_462 = vector.broadcast %add3A_461 : i32 to vector<16xi32>
      %add3A_463 = arith.addi %mul3A_412, %add3A_462 : vector<16xi32>
      %gather3A_464 = tpu.vector_load_idx %arg5[%add3A_463] : memref<8000xf32, #tpu.memory_space<vmem>>[vector<16xi32>], vector<16xf32>,
      %swap3A_465 = arith.constant 6 : i32
      %swap3A_466 = arith.index_cast %swap3A_465 : i32 to index
      %swap3A_467 = arith.index_cast %mul3A_407 : i32 to index
      %swap3A_468 = tpu.vector_load %arg7[%swap3A_466, %swap3A_467] {strides = array<i32>} : memref<8x2048xf32, #tpu.memory_space<vmem>>, vector<16xf32>,
      tpu.vector_store %arg7[%swap3A_466, %swap3A_467], %gather3A_464 {strides = array<i32>} : memref<8x2048xf32, #tpu.memory_space<vmem>>, vector<16xf32>,
      %add3A_469 = arith.constant 7 : i32
      %add3A_470 = vector.broadcast %add3A_469 : i32 to vector<16xi32>
      %add3A_471 = arith.addi %mul3A_412, %add3A_470 : vector<16xi32>
      %gather3A_472 = tpu.vector_load_idx %arg5[%add3A_471] : memref<8000xf32, #tpu.memory_space<vmem>>[vector<16xi32>], vector<16xf32>,
      %swap3A_473 = arith.constant 7 : i32
      %swap3A_474 = arith.index_cast %swap3A_473 : i32 to index
      %swap3A_475 = arith.index_cast %mul3A_407 : i32 to index
      %swap3A_476 = tpu.vector_load %arg7[%swap3A_474, %swap3A_475] {strides = array<i32>} : memref<8x2048xf32, #tpu.memory_space<vmem>>, vector<16xf32>,
      tpu.vector_store %arg7[%swap3A_474, %swap3A_475], %gather3A_472 {strides = array<i32>} : memref<8x2048xf32, #tpu.memory_space<vmem>>, vector<16xf32>,
      %scan3A_477 = arith.constant 5 : i32
      %scan3A_478 = arith.addi %scan3A_96, %scan3A_477 : i32
      %mul3A_479 = arith.constant 1 : i32
      %mul3A_480 = arith.muli %scan3A_478, %mul3A_479 : i32
      %add3A_481 = arith.constant 64 : i32
      %add3A_482 = arith.addi %add3A_481, %mul3A_480 : i32
      %mul3A_483 = arith.constant 16 : i32
      %mul3A_484 = arith.muli %add3A_482, %mul3A_483 : i32
      %get3A_485 = arith.index_cast %mul3A_484 : i32 to index
      %get3A_486 = tpu.vector_load %arg6[%get3A_485] {strides = array<i32>} : memref<2048xi32, #tpu.memory_space<vmem>>, vector<16xi32>,
      %mul3A_487 = arith.constant 8 : i32
      %mul3A_488 = vector.broadcast %mul3A_487 : i32 to vector<16xi32>
      %mul3A_489 = arith.muli %get3A_486, %mul3A_488 : vector<16xi32>
      %add3A_490 = arith.constant 0 : i32
      %add3A_491 = vector.broadcast %add3A_490 : i32 to vector<16xi32>
      %add3A_492 = arith.addi %mul3A_489, %add3A_491 : vector<16xi32>
      %gather3A_493 = tpu.vector_load_idx %arg5[%add3A_492] : memref<8000xf32, #tpu.memory_space<vmem>>[vector<16xi32>], vector<16xf32>,
      %swap3A_494 = arith.constant 0 : i32
      %swap3A_495 = arith.index_cast %swap3A_494 : i32 to index
      %swap3A_496 = arith.index_cast %mul3A_484 : i32 to index
      %swap3A_497 = tpu.vector_load %arg7[%swap3A_495, %swap3A_496] {strides = array<i32>} : memref<8x2048xf32, #tpu.memory_space<vmem>>, vector<16xf32>,
      tpu.vector_store %arg7[%swap3A_495, %swap3A_496], %gather3A_493 {strides = array<i32>} : memref<8x2048xf32, #tpu.memory_space<vmem>>, vector<16xf32>,
      %add3A_498 = arith.constant 1 : i32
      %add3A_499 = vector.broadcast %add3A_498 : i32 to vector<16xi32>
      %add3A_500 = arith.addi %mul3A_489, %add3A_499 : vector<16xi32>
      %gather3A_501 = tpu.vector_load_idx %arg5[%add3A_500] : memref<8000xf32, #tpu.memory_space<vmem>>[vector<16xi32>], vector<16xf32>,
      %swap3A_502 = arith.constant 1 : i32
      %swap3A_503 = arith.index_cast %swap3A_502 : i32 to index
      %swap3A_504 = arith.index_cast %mul3A_484 : i32 to index
      %swap3A_505 = tpu.vector_load %arg7[%swap3A_503, %swap3A_504] {strides = array<i32>} : memref<8x2048xf32, #tpu.memory_space<vmem>>, vector<16xf32>,
      tpu.vector_store %arg7[%swap3A_503, %swap3A_504], %gather3A_501 {strides = array<i32>} : memref<8x2048xf32, #tpu.memory_space<vmem>>, vector<16xf32>,
      %add3A_506 = arith.constant 2 : i32
      %add3A_507 = vector.broadcast %add3A_506 : i32 to vector<16xi32>
      %add3A_508 = arith.addi %mul3A_489, %add3A_507 : vector<16xi32>
      %gather3A_509 = tpu.vector_load_idx %arg5[%add3A_508] : memref<8000xf32, #tpu.memory_space<vmem>>[vector<16xi32>], vector<16xf32>,
      %swap3A_510 = arith.constant 2 : i32
      %swap3A_511 = arith.index_cast %swap3A_510 : i32 to index
      %swap3A_512 = arith.index_cast %mul3A_484 : i32 to index
      %swap3A_513 = tpu.vector_load %arg7[%swap3A_511, %swap3A_512] {strides = array<i32>} : memref<8x2048xf32, #tpu.memory_space<vmem>>, vector<16xf32>,
      tpu.vector_store %arg7[%swap3A_511, %swap3A_512], %gather3A_509 {strides = array<i32>} : memref<8x2048xf32, #tpu.memory_space<vmem>>, vector<16xf32>,
      %add3A_514 = arith.constant 3 : i32
      %add3A_515 = vector.broadcast %add3A_514 : i32 to vector<16xi32>
      %add3A_516 = arith.addi %mul3A_489, %add3A_515 : vector<16xi32>
      %gather3A_517 = tpu.vector_load_idx %arg5[%add3A_516] : memref<8000xf32, #tpu.memory_space<vmem>>[vector<16xi32>], vector<16xf32>,
      %swap3A_518 = arith.constant 3 : i32
      %swap3A_519 = arith.index_cast %swap3A_518 : i32 to index
      %swap3A_520 = arith.index_cast %mul3A_484 : i32 to index
      %swap3A_521 = tpu.vector_load %arg7[%swap3A_519, %swap3A_520] {strides = array<i32>} : memref<8x2048xf32, #tpu.memory_space<vmem>>, vector<16xf32>,
      tpu.vector_store %arg7[%swap3A_519, %swap3A_520], %gather3A_517 {strides = array<i32>} : memref<8x2048xf32, #tpu.memory_space<vmem>>, vector<16xf32>,
      %add3A_522 = arith.constant 4 : i32
      %add3A_523 = vector.broadcast %add3A_522 : i32 to vector<16xi32>
      %add3A_524 = arith.addi %mul3A_489, %add3A_523 : vector<16xi32>
      %gather3A_525 = tpu.vector_load_idx %arg5[%add3A_524] : memref<8000xf32, #tpu.memory_space<vmem>>[vector<16xi32>], vector<16xf32>,
      %swap3A_526 = arith.constant 4 : i32
      %swap3A_527 = arith.index_cast %swap3A_526 : i32 to index
      %swap3A_528 = arith.index_cast %mul3A_484 : i32 to index
      %swap3A_529 = tpu.vector_load %arg7[%swap3A_527, %swap3A_528] {strides = array<i32>} : memref<8x2048xf32, #tpu.memory_space<vmem>>, vector<16xf32>,
      tpu.vector_store %arg7[%swap3A_527, %swap3A_528], %gather3A_525 {strides = array<i32>} : memref<8x2048xf32, #tpu.memory_space<vmem>>, vector<16xf32>,
      %add3A_530 = arith.constant 5 : i32
      %add3A_531 = vector.broadcast %add3A_530 : i32 to vector<16xi32>
      %add3A_532 = arith.addi %mul3A_489, %add3A_531 : vector<16xi32>
      %gather3A_533 = tpu.vector_load_idx %arg5[%add3A_532] : memref<8000xf32, #tpu.memory_space<vmem>>[vector<16xi32>], vector<16xf32>,
      %swap3A_534 = arith.constant 5 : i32
      %swap3A_535 = arith.index_cast %swap3A_534 : i32 to index
      %swap3A_536 = arith.index_cast %mul3A_484 : i32 to index
      %swap3A_537 = tpu.vector_load %arg7[%swap3A_535, %swap3A_536] {strides = array<i32>} : memref<8x2048xf32, #tpu.memory_space<vmem>>, vector<16xf32>,
      tpu.vector_store %arg7[%swap3A_535, %swap3A_536], %gather3A_533 {strides = array<i32>} : memref<8x2048xf32, #tpu.memory_space<vmem>>, vector<16xf32>,
      %add3A_538 = arith.constant 6 : i32
      %add3A_539 = vector.broadcast %add3A_538 : i32 to vector<16xi32>
      %add3A_540 = arith.addi %mul3A_489, %add3A_539 : vector<16xi32>
      %gather3A_541 = tpu.vector_load_idx %arg5[%add3A_540] : memref<8000xf32, #tpu.memory_space<vmem>>[vector<16xi32>], vector<16xf32>,
      %swap3A_542 = arith.constant 6 : i32
      %swap3A_543 = arith.index_cast %swap3A_542 : i32 to index
      %swap3A_544 = arith.index_cast %mul3A_484 : i32 to index
      %swap3A_545 = tpu.vector_load %arg7[%swap3A_543, %swap3A_544] {strides = array<i32>} : memref<8x2048xf32, #tpu.memory_space<vmem>>, vector<16xf32>,
      tpu.vector_store %arg7[%swap3A_543, %swap3A_544], %gather3A_541 {strides = array<i32>} : memref<8x2048xf32, #tpu.memory_space<vmem>>, vector<16xf32>,
      %add3A_546 = arith.constant 7 : i32
      %add3A_547 = vector.broadcast %add3A_546 : i32 to vector<16xi32>
      %add3A_548 = arith.addi %mul3A_489, %add3A_547 : vector<16xi32>
      %gather3A_549 = tpu.vector_load_idx %arg5[%add3A_548] : memref<8000xf32, #tpu.memory_space<vmem>>[vector<16xi32>], vector<16xf32>,
      %swap3A_550 = arith.constant 7 : i32
      %swap3A_551 = arith.index_cast %swap3A_550 : i32 to index
      %swap3A_552 = arith.index_cast %mul3A_484 : i32 to index
      %swap3A_553 = tpu.vector_load %arg7[%swap3A_551, %swap3A_552] {strides = array<i32>} : memref<8x2048xf32, #tpu.memory_space<vmem>>, vector<16xf32>,
      tpu.vector_store %arg7[%swap3A_551, %swap3A_552], %gather3A_549 {strides = array<i32>} : memref<8x2048xf32, #tpu.memory_space<vmem>>, vector<16xf32>,
      %scan3A_554 = arith.constant 6 : i32
      %scan3A_555 = arith.addi %scan3A_96, %scan3A_554 : i32
      %mul3A_556 = arith.constant 1 : i32
      %mul3A_557 = arith.muli %scan3A_555, %mul3A_556 : i32
      %add3A_558 = arith.constant 64 : i32
      %add3A_559 = arith.addi %add3A_558, %mul3A_557 : i32
      %mul3A_560 = arith.constant 16 : i32
      %mul3A_561 = arith.muli %add3A_559, %mul3A_560 : i32
      %get3A_562 = arith.index_cast %mul3A_561 : i32 to index
      %get3A_563 = tpu.vector_load %arg6[%get3A_562] {strides = array<i32>} : memref<2048xi32, #tpu.memory_space<vmem>>, vector<16xi32>,
      %mul3A_564 = arith.constant 8 : i32
      %mul3A_565 = vector.broadcast %mul3A_564 : i32 to vector<16xi32>
      %mul3A_566 = arith.muli %get3A_563, %mul3A_565 : vector<16xi32>
      %add3A_567 = arith.constant 0 : i32
      %add3A_568 = vector.broadcast %add3A_567 : i32 to vector<16xi32>
      %add3A_569 = arith.addi %mul3A_566, %add3A_568 : vector<16xi32>
      %gather3A_570 = tpu.vector_load_idx %arg5[%add3A_569] : memref<8000xf32, #tpu.memory_space<vmem>>[vector<16xi32>], vector<16xf32>,
      %swap3A_571 = arith.constant 0 : i32
      %swap3A_572 = arith.index_cast %swap3A_571 : i32 to index
      %swap3A_573 = arith.index_cast %mul3A_561 : i32 to index
      %swap3A_574 = tpu.vector_load %arg7[%swap3A_572, %swap3A_573] {strides = array<i32>} : memref<8x2048xf32, #tpu.memory_space<vmem>>, vector<16xf32>,
      tpu.vector_store %arg7[%swap3A_572, %swap3A_573], %gather3A_570 {strides = array<i32>} : memref<8x2048xf32, #tpu.memory_space<vmem>>, vector<16xf32>,
      %add3A_575 = arith.constant 1 : i32
      %add3A_576 = vector.broadcast %add3A_575 : i32 to vector<16xi32>
      %add3A_577 = arith.addi %mul3A_566, %add3A_576 : vector<16xi32>
      %gather3A_578 = tpu.vector_load_idx %arg5[%add3A_577] : memref<8000xf32, #tpu.memory_space<vmem>>[vector<16xi32>], vector<16xf32>,
      %swap3A_579 = arith.constant 1 : i32
      %swap3A_580 = arith.index_cast %swap3A_579 : i32 to index
      %swap3A_581 = arith.index_cast %mul3A_561 : i32 to index
      %swap3A_582 = tpu.vector_load %arg7[%swap3A_580, %swap3A_581] {strides = array<i32>} : memref<8x2048xf32, #tpu.memory_space<vmem>>, vector<16xf32>,
      tpu.vector_store %arg7[%swap3A_580, %swap3A_581], %gather3A_578 {strides = array<i32>} : memref<8x2048xf32, #tpu.memory_space<vmem>>, vector<16xf32>,
      %add3A_583 = arith.constant 2 : i32
      %add3A_584 = vector.broadcast %add3A_583 : i32 to vector<16xi32>
      %add3A_585 = arith.addi %mul3A_566, %add3A_584 : vector<16xi32>
      %gather3A_586 = tpu.vector_load_idx %arg5[%add3A_585] : memref<8000xf32, #tpu.memory_space<vmem>>[vector<16xi32>], vector<16xf32>,
      %swap3A_587 = arith.constant 2 : i32
      %swap3A_588 = arith.index_cast %swap3A_587 : i32 to index
      %swap3A_589 = arith.index_cast %mul3A_561 : i32 to index
      %swap3A_590 = tpu.vector_load %arg7[%swap3A_588, %swap3A_589] {strides = array<i32>} : memref<8x2048xf32, #tpu.memory_space<vmem>>, vector<16xf32>,
      tpu.vector_store %arg7[%swap3A_588, %swap3A_589], %gather3A_586 {strides = array<i32>} : memref<8x2048xf32, #tpu.memory_space<vmem>>, vector<16xf32>,
      %add3A_591 = arith.constant 3 : i32
      %add3A_592 = vector.broadcast %add3A_591 : i32 to vector<16xi32>
      %add3A_593 = arith.addi %mul3A_566, %add3A_592 : vector<16xi32>
      %gather3A_594 = tpu.vector_load_idx %arg5[%add3A_593] : memref<8000xf32, #tpu.memory_space<vmem>>[vector<16xi32>], vector<16xf32>,
      %swap3A_595 = arith.constant 3 : i32
      %swap3A_596 = arith.index_cast %swap3A_595 : i32 to index
      %swap3A_597 = arith.index_cast %mul3A_561 : i32 to index
      %swap3A_598 = tpu.vector_load %arg7[%swap3A_596, %swap3A_597] {strides = array<i32>} : memref<8x2048xf32, #tpu.memory_space<vmem>>, vector<16xf32>,
      tpu.vector_store %arg7[%swap3A_596, %swap3A_597], %gather3A_594 {strides = array<i32>} : memref<8x2048xf32, #tpu.memory_space<vmem>>, vector<16xf32>,
      %add3A_599 = arith.constant 4 : i32
      %add3A_600 = vector.broadcast %add3A_599 : i32 to vector<16xi32>
      %add3A_601 = arith.addi %mul3A_566, %add3A_600 : vector<16xi32>
      %gather3A_602 = tpu.vector_load_idx %arg5[%add3A_601] : memref<8000xf32, #tpu.memory_space<vmem>>[vector<16xi32>], vector<16xf32>,
      %swap3A_603 = arith.constant 4 : i32
      %swap3A_604 = arith.index_cast %swap3A_603 : i32 to index
      %swap3A_605 = arith.index_cast %mul3A_561 : i32 to index
      %swap3A_606 = tpu.vector_load %arg7[%swap3A_604, %swap3A_605] {strides = array<i32>} : memref<8x2048xf32, #tpu.memory_space<vmem>>, vector<16xf32>,
      tpu.vector_store %arg7[%swap3A_604, %swap3A_605], %gather3A_602 {strides = array<i32>} : memref<8x2048xf32, #tpu.memory_space<vmem>>, vector<16xf32>,
      %add3A_607 = arith.constant 5 : i32
      %add3A_608 = vector.broadcast %add3A_607 : i32 to vector<16xi32>
      %add3A_609 = arith.addi %mul3A_566, %add3A_608 : vector<16xi32>
      %gather3A_610 = tpu.vector_load_idx %arg5[%add3A_609] : memref<8000xf32, #tpu.memory_space<vmem>>[vector<16xi32>], vector<16xf32>,
      %swap3A_611 = arith.constant 5 : i32
      %swap3A_612 = arith.index_cast %swap3A_611 : i32 to index
      %swap3A_613 = arith.index_cast %mul3A_561 : i32 to index
      %swap3A_614 = tpu.vector_load %arg7[%swap3A_612, %swap3A_613] {strides = array<i32>} : memref<8x2048xf32, #tpu.memory_space<vmem>>, vector<16xf32>,
      tpu.vector_store %arg7[%swap3A_612, %swap3A_613], %gather3A_610 {strides = array<i32>} : memref<8x2048xf32, #tpu.memory_space<vmem>>, vector<16xf32>,
      %add3A_615 = arith.constant 6 : i32
      %add3A_616 = vector.broadcast %add3A_615 : i32 to vector<16xi32>
      %add3A_617 = arith.addi %mul3A_566, %add3A_616 : vector<16xi32>
      %gather3A_618 = tpu.vector_load_idx %arg5[%add3A_617] : memref<8000xf32, #tpu.memory_space<vmem>>[vector<16xi32>], vector<16xf32>,
      %swap3A_619 = arith.constant 6 : i32
      %swap3A_620 = arith.index_cast %swap3A_619 : i32 to index
      %swap3A_621 = arith.index_cast %mul3A_561 : i32 to index
      %swap3A_622 = tpu.vector_load %arg7[%swap3A_620, %swap3A_621] {strides = array<i32>} : memref<8x2048xf32, #tpu.memory_space<vmem>>, vector<16xf32>,
      tpu.vector_store %arg7[%swap3A_620, %swap3A_621], %gather3A_618 {strides = array<i32>} : memref<8x2048xf32, #tpu.memory_space<vmem>>, vector<16xf32>,
      %add3A_623 = arith.constant 7 : i32
      %add3A_624 = vector.broadcast %add3A_623 : i32 to vector<16xi32>
      %add3A_625 = arith.addi %mul3A_566, %add3A_624 : vector<16xi32>
      %gather3A_626 = tpu.vector_load_idx %arg5[%add3A_625] : memref<8000xf32, #tpu.memory_space<vmem>>[vector<16xi32>], vector<16xf32>,
      %swap3A_627 = arith.constant 7 : i32
      %swap3A_628 = arith.index_cast %swap3A_627 : i32 to index
      %swap3A_629 = arith.index_cast %mul3A_561 : i32 to index
      %swap3A_630 = tpu.vector_load %arg7[%swap3A_628, %swap3A_629] {strides = array<i32>} : memref<8x2048xf32, #tpu.memory_space<vmem>>, vector<16xf32>,
      tpu.vector_store %arg7[%swap3A_628, %swap3A_629], %gather3A_626 {strides = array<i32>} : memref<8x2048xf32, #tpu.memory_space<vmem>>, vector<16xf32>,
      %scan3A_631 = arith.constant 7 : i32
      %scan3A_632 = arith.addi %scan3A_96, %scan3A_631 : i32
      %mul3A_633 = arith.constant 1 : i32
      %mul3A_634 = arith.muli %scan3A_632, %mul3A_633 : i32
      %add3A_635 = arith.constant 64 : i32
      %add3A_636 = arith.addi %add3A_635, %mul3A_634 : i32
      %mul3A_637 = arith.constant 16 : i32
      %mul3A_638 = arith.muli %add3A_636, %mul3A_637 : i32
      %get3A_639 = arith.index_cast %mul3A_638 : i32 to index
      %get3A_640 = tpu.vector_load %arg6[%get3A_639] {strides = array<i32>} : memref<2048xi32, #tpu.memory_space<vmem>>, vector<16xi32>,
      %mul3A_641 = arith.constant 8 : i32
      %mul3A_642 = vector.broadcast %mul3A_641 : i32 to vector<16xi32>
      %mul3A_643 = arith.muli %get3A_640, %mul3A_642 : vector<16xi32>
      %add3A_644 = arith.constant 0 : i32
      %add3A_645 = vector.broadcast %add3A_644 : i32 to vector<16xi32>
      %add3A_646 = arith.addi %mul3A_643, %add3A_645 : vector<16xi32>
      %gather3A_647 = tpu.vector_load_idx %arg5[%add3A_646] : memref<8000xf32, #tpu.memory_space<vmem>>[vector<16xi32>], vector<16xf32>,
      %swap3A_648 = arith.constant 0 : i32
      %swap3A_649 = arith.index_cast %swap3A_648 : i32 to index
      %swap3A_650 = arith.index_cast %mul3A_638 : i32 to index
      %swap3A_651 = tpu.vector_load %arg7[%swap3A_649, %swap3A_650] {strides = array<i32>} : memref<8x2048xf32, #tpu.memory_space<vmem>>, vector<16xf32>,
      tpu.vector_store %arg7[%swap3A_649, %swap3A_650], %gather3A_647 {strides = array<i32>} : memref<8x2048xf32, #tpu.memory_space<vmem>>, vector<16xf32>,
      %add3A_652 = arith.constant 1 : i32
      %add3A_653 = vector.broadcast %add3A_652 : i32 to vector<16xi32>
      %add3A_654 = arith.addi %mul3A_643, %add3A_653 : vector<16xi32>
      %gather3A_655 = tpu.vector_load_idx %arg5[%add3A_654] : memref<8000xf32, #tpu.memory_space<vmem>>[vector<16xi32>], vector<16xf32>,
      %swap3A_656 = arith.constant 1 : i32
      %swap3A_657 = arith.index_cast %swap3A_656 : i32 to index
      %swap3A_658 = arith.index_cast %mul3A_638 : i32 to index
      %swap3A_659 = tpu.vector_load %arg7[%swap3A_657, %swap3A_658] {strides = array<i32>} : memref<8x2048xf32, #tpu.memory_space<vmem>>, vector<16xf32>,
      tpu.vector_store %arg7[%swap3A_657, %swap3A_658], %gather3A_655 {strides = array<i32>} : memref<8x2048xf32, #tpu.memory_space<vmem>>, vector<16xf32>,
      %add3A_660 = arith.constant 2 : i32
      %add3A_661 = vector.broadcast %add3A_660 : i32 to vector<16xi32>
      %add3A_662 = arith.addi %mul3A_643, %add3A_661 : vector<16xi32>
      %gather3A_663 = tpu.vector_load_idx %arg5[%add3A_662] : memref<8000xf32, #tpu.memory_space<vmem>>[vector<16xi32>], vector<16xf32>,
      %swap3A_664 = arith.constant 2 : i32
      %swap3A_665 = arith.index_cast %swap3A_664 : i32 to index
      %swap3A_666 = arith.index_cast %mul3A_638 : i32 to index
      %swap3A_667 = tpu.vector_load %arg7[%swap3A_665, %swap3A_666] {strides = array<i32>} : memref<8x2048xf32, #tpu.memory_space<vmem>>, vector<16xf32>,
      tpu.vector_store %arg7[%swap3A_665, %swap3A_666], %gather3A_663 {strides = array<i32>} : memref<8x2048xf32, #tpu.memory_space<vmem>>, vector<16xf32>,
      %add3A_668 = arith.constant 3 : i32
      %add3A_669 = vector.broadcast %add3A_668 : i32 to vector<16xi32>
      %add3A_670 = arith.addi %mul3A_643, %add3A_669 : vector<16xi32>
      %gather3A_671 = tpu.vector_load_idx %arg5[%add3A_670] : memref<8000xf32, #tpu.memory_space<vmem>>[vector<16xi32>], vector<16xf32>,
      %swap3A_672 = arith.constant 3 : i32
      %swap3A_673 = arith.index_cast %swap3A_672 : i32 to index
      %swap3A_674 = arith.index_cast %mul3A_638 : i32 to index
      %swap3A_675 = tpu.vector_load %arg7[%swap3A_673, %swap3A_674] {strides = array<i32>} : memref<8x2048xf32, #tpu.memory_space<vmem>>, vector<16xf32>,
      tpu.vector_store %arg7[%swap3A_673, %swap3A_674], %gather3A_671 {strides = array<i32>} : memref<8x2048xf32, #tpu.memory_space<vmem>>, vector<16xf32>,
      %add3A_676 = arith.constant 4 : i32
      %add3A_677 = vector.broadcast %add3A_676 : i32 to vector<16xi32>
      %add3A_678 = arith.addi %mul3A_643, %add3A_677 : vector<16xi32>
      %gather3A_679 = tpu.vector_load_idx %arg5[%add3A_678] : memref<8000xf32, #tpu.memory_space<vmem>>[vector<16xi32>], vector<16xf32>,
      %swap3A_680 = arith.constant 4 : i32
      %swap3A_681 = arith.index_cast %swap3A_680 : i32 to index
      %swap3A_682 = arith.index_cast %mul3A_638 : i32 to index
      %swap3A_683 = tpu.vector_load %arg7[%swap3A_681, %swap3A_682] {strides = array<i32>} : memref<8x2048xf32, #tpu.memory_space<vmem>>, vector<16xf32>,
      tpu.vector_store %arg7[%swap3A_681, %swap3A_682], %gather3A_679 {strides = array<i32>} : memref<8x2048xf32, #tpu.memory_space<vmem>>, vector<16xf32>,
      %add3A_684 = arith.constant 5 : i32
      %add3A_685 = vector.broadcast %add3A_684 : i32 to vector<16xi32>
      %add3A_686 = arith.addi %mul3A_643, %add3A_685 : vector<16xi32>
      %gather3A_687 = tpu.vector_load_idx %arg5[%add3A_686] : memref<8000xf32, #tpu.memory_space<vmem>>[vector<16xi32>], vector<16xf32>,
      %swap3A_688 = arith.constant 5 : i32
      %swap3A_689 = arith.index_cast %swap3A_688 : i32 to index
      %swap3A_690 = arith.index_cast %mul3A_638 : i32 to index
      %swap3A_691 = tpu.vector_load %arg7[%swap3A_689, %swap3A_690] {strides = array<i32>} : memref<8x2048xf32, #tpu.memory_space<vmem>>, vector<16xf32>,
      tpu.vector_store %arg7[%swap3A_689, %swap3A_690], %gather3A_687 {strides = array<i32>} : memref<8x2048xf32, #tpu.memory_space<vmem>>, vector<16xf32>,
      %add3A_692 = arith.constant 6 : i32
      %add3A_693 = vector.broadcast %add3A_692 : i32 to vector<16xi32>
      %add3A_694 = arith.addi %mul3A_643, %add3A_693 : vector<16xi32>
      %gather3A_695 = tpu.vector_load_idx %arg5[%add3A_694] : memref<8000xf32, #tpu.memory_space<vmem>>[vector<16xi32>], vector<16xf32>,
      %swap3A_696 = arith.constant 6 : i32
      %swap3A_697 = arith.index_cast %swap3A_696 : i32 to index
      %swap3A_698 = arith.index_cast %mul3A_638 : i32 to index
      %swap3A_699 = tpu.vector_load %arg7[%swap3A_697, %swap3A_698] {strides = array<i32>} : memref<8x2048xf32, #tpu.memory_space<vmem>>, vector<16xf32>,
      tpu.vector_store %arg7[%swap3A_697, %swap3A_698], %gather3A_695 {strides = array<i32>} : memref<8x2048xf32, #tpu.memory_space<vmem>>, vector<16xf32>,
      %add3A_700 = arith.constant 7 : i32
      %add3A_701 = vector.broadcast %add3A_700 : i32 to vector<16xi32>
      %add3A_702 = arith.addi %mul3A_643, %add3A_701 : vector<16xi32>
      %gather3A_703 = tpu.vector_load_idx %arg5[%add3A_702] : memref<8000xf32, #tpu.memory_space<vmem>>[vector<16xi32>], vector<16xf32>,
      %swap3A_704 = arith.constant 7 : i32
      %swap3A_705 = arith.index_cast %swap3A_704 : i32 to index
      %swap3A_706 = arith.index_cast %mul3A_638 : i32 to index
      %swap3A_707 = tpu.vector_load %arg7[%swap3A_705, %swap3A_706] {strides = array<i32>} : memref<8x2048xf32, #tpu.memory_space<vmem>>, vector<16xf32>,
      tpu.vector_store %arg7[%swap3A_705, %swap3A_706], %gather3A_703 {strides = array<i32>} : memref<8x2048xf32, #tpu.memory_space<vmem>>, vector<16xf32>,
    }
    %scan3A_67 = arith.constant 64 : i32
    %mul3A_68 = arith.constant 8 : i32
    %mul3A_69 = arith.muli %select_n3A_9, %mul3A_68 : i32
    %add3A_70 = arith.constant 1024 : i32
    %add3A_71 = arith.addi %mul3A_32, %add3A_70 : i32
    %dma_start3A_72 = arith.constant 0 : i32
    %dma_start3A_73 = arith.constant 1024 : i32
    %dma_start3A_74 = tpu.memref_slice %arg7[%dma_start3A_72, %dma_start3A_73] : memref<8x2048xf32, #tpu.memory_space<vmem>> -> memref<8x1024xf32, #tpu.memory_space<vmem>>
    %dma_start3A_75 = tpu.memref_slice %arg4[%mul3A_69, %add3A_71] : memref<32x16384xf32, #tpu.memory_space<hbm>> -> memref<8x1024xf32, #tpu.memory_space<hbm>>
    %dma_start3A_76 = tpu.memref_slice %arg4[%mul3A_69, %add3A_71] : memref<32x16384xf32, #tpu.memory_space<hbm>> -> memref<8x1024xf32, #tpu.memory_space<hbm>>
    %dma_start3A_77 = arith.constant 0 : i32
    %dma_start3A_78 = arith.constant 1024 : i32
    %dma_start3A_79 = tpu.memref_slice %arg7[%dma_start3A_77, %dma_start3A_78] : memref<8x2048xf32, #tpu.memory_space<vmem>> -> memref<8x1024xf32, #tpu.memory_space<vmem>>
    tpu.enqueue_dma source(%dma_start3A_79 : memref<8x1024xf32, #tpu.memory_space<vmem>>) target(%dma_start3A_76 : memref<8x1024xf32, #tpu.memory_space<hbm>>) target_semaphore(%arg8 : memref<!tpu.dma_semaphore, #tpu.memory_space<semaphore_mem>>)
    %dma_wait3A_80 = arith.constant 0 : i32
    %dma_wait3A_81 = arith.constant 0 : i32
    %dma_wait3A_82 = tpu.memref_slice %arg7[%dma_wait3A_80, %dma_wait3A_81] : memref<8x2048xf32, #tpu.memory_space<vmem>> -> memref<8x1024xf32, #tpu.memory_space<vmem>>
    %dma_wait3A_83 = tpu.memref_slice %arg4[%mul3A_52, %add3A_54] : memref<32x16384xf32, #tpu.memory_space<hbm>> -> memref<8x1024xf32, #tpu.memory_space<hbm>>
    %dma_wait3A_84 = tpu.memref_slice %arg4[%mul3A_52, %add3A_54] : memref<32x16384xf32, #tpu.memory_space<hbm>> -> memref<8x1024xf32, #tpu.memory_space<hbm>>
    %dma_wait3A_85 = arith.constant 0 : i32
    %dma_wait3A_86 = arith.constant 0 : i32
    %dma_wait3A_87 = tpu.memref_slice %arg7[%dma_wait3A_85, %dma_wait3A_86] : memref<8x2048xf32, #tpu.memory_space<vmem>> -> memref<8x1024xf32, #tpu.memory_space<vmem>>
    tpu.wait_dma2 semaphore(%arg8 : memref<!tpu.dma_semaphore, #tpu.memory_space<semaphore_mem>>) src(%dma_wait3A_87 : memref<8x1024xf32, #tpu.memory_space<vmem>>) dst(%dma_wait3A_84 : memref<8x1024xf32, #tpu.memory_space<hbm>>)
    %dma_wait3A_88 = arith.constant 0 : i32
    %dma_wait3A_89 = arith.constant 1024 : i32
    %dma_wait3A_90 = tpu.memref_slice %arg7[%dma_wait3A_88, %dma_wait3A_89] : memref<8x2048xf32, #tpu.memory_space<vmem>> -> memref<8x1024xf32, #tpu.memory_space<vmem>>
    %dma_wait3A_91 = tpu.memref_slice %arg4[%mul3A_69, %add3A_71] : memref<32x16384xf32, #tpu.memory_space<hbm>> -> memref<8x1024xf32, #tpu.memory_space<hbm>>
    %dma_wait3A_92 = tpu.memref_slice %arg4[%mul3A_69, %add3A_71] : memref<32x16384xf32, #tpu.memory_space<hbm>> -> memref<8x1024xf32, #tpu.memory_space<hbm>>
    %dma_wait3A_93 = arith.constant 0 : i32
    %dma_wait3A_94 = arith.constant 1024 : i32
    %dma_wait3A_95 = tpu.memref_slice %arg7[%dma_wait3A_93, %dma_wait3A_94] : memref<8x2048xf32, #tpu.memory_space<vmem>> -> memref<8x1024xf32, #tpu.memory_space<vmem>>
    tpu.wait_dma2 semaphore(%arg8 : memref<!tpu.dma_semaphore, #tpu.memory_space<semaphore_mem>>) src(%dma_wait3A_95 : memref<8x1024xf32, #tpu.memory_space<vmem>>) dst(%dma_wait3A_92 : memref<8x1024xf32, #tpu.memory_space<hbm>>)
    return
  }
}

module attributes {stable_mosaic.version = 14 : i64} {
  func.func @_mlp_body(%arg0: i32, %arg1: memref<32x8192xf32, #tpu.memory_space<vmem>>, %arg2: memref<2x8192xf32, #tpu.memory_space<vmem>>, %arg3: memref<40x32xf32, #tpu.memory_space<vmem>>, %arg4: memref<40x2xf32, #tpu.memory_space<vmem>>, %arg5: memref<40x1xf32, #tpu.memory_space<vmem>>, %arg6: memref<40x40xf32, #tpu.memory_space<vmem>>, %arg7: memref<40x1xf32, #tpu.memory_space<vmem>>, %arg8: memref<2x40xf32, #tpu.memory_space<vmem>>, %arg9: memref<2x1xf32, #tpu.memory_space<vmem>>, %arg10: memref<2x8192xf32, #tpu.memory_space<vmem>>) attributes {dimension_semantics = [#tpu.dimension_semantics<arbitrary>], iteration_bounds = array<i64: 2>, scalar_prefetch = 0 : i64, scratch_operands = 0 : i64, tpu.core_type = #tpu.core_type<tc>, window_params = [{transform_indices = @transform_0, window_bounds = array<i64: 32, 8192>}, {transform_indices = @transform_1, window_bounds = array<i64: 2, 8192>}, {pipeline_mode = #tpu.pipeline_mode<synchronous>, transform_indices = @transform_2, window_bounds = array<i64: 40, 32>}, {pipeline_mode = #tpu.pipeline_mode<synchronous>, transform_indices = @transform_3, window_bounds = array<i64: 40, 2>}, {pipeline_mode = #tpu.pipeline_mode<synchronous>, transform_indices = @transform_4, window_bounds = array<i64: 40, 1>}, {pipeline_mode = #tpu.pipeline_mode<synchronous>, transform_indices = @transform_5, window_bounds = array<i64: 40, 40>}, {pipeline_mode = #tpu.pipeline_mode<synchronous>, transform_indices = @transform_6, window_bounds = array<i64: 40, 1>}, {pipeline_mode = #tpu.pipeline_mode<synchronous>, transform_indices = @transform_7, window_bounds = array<i64: 2, 40>}, {pipeline_mode = #tpu.pipeline_mode<synchronous>, transform_indices = @transform_8, window_bounds = array<i64: 2, 1>}, {transform_indices = @transform_9, window_bounds = array<i64: 2, 8192>}]} {
    %get3A = arith.constant 0 : index
    %get3A_0 = arith.constant 0 : index
    %get3A_1 = vector.load %arg3[%get3A, %get3A_0] : memref<40x32xf32, #tpu.memory_space<vmem>>, vector<40x32xf32>
    %get3A_2 = arith.constant 0 : index
    %get3A_3 = arith.constant 0 : index
    %get3A_4 = vector.load %arg1[%get3A_2, %get3A_3] : memref<32x8192xf32, #tpu.memory_space<vmem>>, vector<32x8192xf32>
    %dot_general3A = arith.constant dense<0.000000e+00> : vector<40x8192xf32>
    %dot_general3A_5 = tpu.matmul %get3A_1, %get3A_4, %dot_general3A {dimension_numbers = #tpu.dot_dimension_numbers<[1], [0], [0], [1], [0, 0, 1, 1], [], []>, transpose_lhs_hint = false} : vector<40x32xf32>, vector<32x8192xf32>, vector<40x8192xf32> -> vector<40x8192xf32>
    %get3A_6 = arith.constant 0 : index
    %get3A_7 = arith.constant 0 : index
    %get3A_8 = vector.load %arg4[%get3A_6, %get3A_7] : memref<40x2xf32, #tpu.memory_space<vmem>>, vector<40x2xf32>
    %get3A_9 = arith.constant 0 : index
    %get3A_10 = arith.constant 0 : index
    %get3A_11 = vector.load %arg2[%get3A_9, %get3A_10] : memref<2x8192xf32, #tpu.memory_space<vmem>>, vector<2x8192xf32>
    %dot_general3A_12 = arith.constant dense<0.000000e+00> : vector<40x8192xf32>
    %dot_general3A_13 = tpu.matmul %get3A_8, %get3A_11, %dot_general3A_12 {dimension_numbers = #tpu.dot_dimension_numbers<[1], [0], [0], [1], [0, 0, 1, 1], [], []>, transpose_lhs_hint = false} : vector<40x2xf32>, vector<2x8192xf32>, vector<40x8192xf32> -> vector<40x8192xf32>
    %add3A = arith.addf %dot_general3A_5, %dot_general3A_13 : vector<40x8192xf32>
    %get3A_14 = arith.constant 0 : index
    %get3A_15 = arith.constant 0 : index
    %get3A_16 = vector.load %arg5[%get3A_14, %get3A_15] : memref<40x1xf32, #tpu.memory_space<vmem>>, vector<40x1xf32>
    %add3A_17 = vector.broadcast %get3A_16 : vector<40x1xf32> to vector<40x8192xf32>
    %add3A_18 = arith.addf %add3A, %add3A_17 : vector<40x8192xf32>
    %max3A = arith.constant 0.000000e+00 : f32
    %max3A_19 = vector.broadcast %max3A : f32 to vector<40x8192xf32>
    %max3A_20 = arith.maximumf %add3A_18, %max3A_19 : vector<40x8192xf32>
    %get3A_21 = arith.constant 0 : index
    %get3A_22 = arith.constant 0 : index
    %get3A_23 = vector.load %arg6[%get3A_21, %get3A_22] : memref<40x40xf32, #tpu.memory_space<vmem>>, vector<40x40xf32>
    %dot_general3A_24 = arith.constant dense<0.000000e+00> : vector<40x8192xf32>
    %dot_general3A_25 = tpu.matmul %get3A_23, %max3A_20, %dot_general3A_24 {dimension_numbers = #tpu.dot_dimension_numbers<[1], [0], [0], [1], [0, 0, 1, 1], [], []>, transpose_lhs_hint = false} : vector<40x40xf32>, vector<40x8192xf32>, vector<40x8192xf32> -> vector<40x8192xf32>
    %get3A_26 = arith.constant 0 : index
    %get3A_27 = arith.constant 0 : index
    %get3A_28 = vector.load %arg7[%get3A_26, %get3A_27] : memref<40x1xf32, #tpu.memory_space<vmem>>, vector<40x1xf32>
    %add3A_29 = vector.broadcast %get3A_28 : vector<40x1xf32> to vector<40x8192xf32>
    %add3A_30 = arith.addf %dot_general3A_25, %add3A_29 : vector<40x8192xf32>
    %max3A_31 = arith.constant 0.000000e+00 : f32
    %max3A_32 = vector.broadcast %max3A_31 : f32 to vector<40x8192xf32>
    %max3A_33 = arith.maximumf %add3A_30, %max3A_32 : vector<40x8192xf32>
    %get3A_34 = arith.constant 0 : index
    %get3A_35 = arith.constant 0 : index
    %get3A_36 = vector.load %arg8[%get3A_34, %get3A_35] : memref<2x40xf32, #tpu.memory_space<vmem>>, vector<2x40xf32>
    %dot_general3A_37 = arith.constant dense<0.000000e+00> : vector<2x8192xf32>
    %dot_general3A_38 = tpu.matmul %get3A_36, %max3A_33, %dot_general3A_37 {dimension_numbers = #tpu.dot_dimension_numbers<[1], [0], [0], [1], [0, 0, 1, 1], [], []>, transpose_lhs_hint = false} : vector<2x40xf32>, vector<40x8192xf32>, vector<2x8192xf32> -> vector<2x8192xf32>
    %get3A_39 = arith.constant 0 : index
    %get3A_40 = arith.constant 0 : index
    %get3A_41 = vector.load %arg9[%get3A_39, %get3A_40] : memref<2x1xf32, #tpu.memory_space<vmem>>, vector<2x1xf32>
    %add3A_42 = vector.broadcast %get3A_41 : vector<2x1xf32> to vector<2x8192xf32>
    %add3A_43 = arith.addf %dot_general3A_38, %add3A_42 : vector<2x8192xf32>
    %swap3A = arith.constant 0 : index
    %swap3A_44 = arith.constant 0 : index
    %swap3A_45 = vector.load %arg10[%swap3A, %swap3A_44] : memref<2x8192xf32, #tpu.memory_space<vmem>>, vector<2x8192xf32>
    tpu.vector_store %arg10[%swap3A, %swap3A_44], %add3A_43 {strides = array<i32>} : memref<2x8192xf32, #tpu.memory_space<vmem>>, vector<2x8192xf32>,
    return
  }
  func.func @transform_0(%arg0: i32) -> (i32, i32) {
    %c0_i32 = arith.constant 0 : i32
    %c0_i32_0 = arith.constant 0 : i32
    return %c0_i32, %arg0 : i32, i32
  }
  func.func @transform_1(%arg0: i32) -> (i32, i32) {
    %c0_i32 = arith.constant 0 : i32
    %c0_i32_0 = arith.constant 0 : i32
    return %c0_i32, %arg0 : i32, i32
  }
  func.func @transform_2(%arg0: i32) -> (i32, i32) {
    %c0_i32 = arith.constant 0 : i32
    %c0_i32_0 = arith.constant 0 : i32
    %c0_i32_1 = arith.constant 0 : i32
    return %c0_i32, %c0_i32_0 : i32, i32
  }
  func.func @transform_3(%arg0: i32) -> (i32, i32) {
    %c0_i32 = arith.constant 0 : i32
    %c0_i32_0 = arith.constant 0 : i32
    %c0_i32_1 = arith.constant 0 : i32
    return %c0_i32, %c0_i32_0 : i32, i32
  }
  func.func @transform_4(%arg0: i32) -> (i32, i32) {
    %c0_i32 = arith.constant 0 : i32
    %c0_i32_0 = arith.constant 0 : i32
    %c0_i32_1 = arith.constant 0 : i32
    return %c0_i32, %c0_i32_0 : i32, i32
  }
  func.func @transform_5(%arg0: i32) -> (i32, i32) {
    %c0_i32 = arith.constant 0 : i32
    %c0_i32_0 = arith.constant 0 : i32
    %c0_i32_1 = arith.constant 0 : i32
    return %c0_i32, %c0_i32_0 : i32, i32
  }
  func.func @transform_6(%arg0: i32) -> (i32, i32) {
    %c0_i32 = arith.constant 0 : i32
    %c0_i32_0 = arith.constant 0 : i32
    %c0_i32_1 = arith.constant 0 : i32
    return %c0_i32, %c0_i32_0 : i32, i32
  }
  func.func @transform_7(%arg0: i32) -> (i32, i32) {
    %c0_i32 = arith.constant 0 : i32
    %c0_i32_0 = arith.constant 0 : i32
    %c0_i32_1 = arith.constant 0 : i32
    return %c0_i32, %c0_i32_0 : i32, i32
  }
  func.func @transform_8(%arg0: i32) -> (i32, i32) {
    %c0_i32 = arith.constant 0 : i32
    %c0_i32_0 = arith.constant 0 : i32
    %c0_i32_1 = arith.constant 0 : i32
    return %c0_i32, %c0_i32_0 : i32, i32
  }
  func.func @transform_9(%arg0: i32) -> (i32, i32) {
    %c0_i32 = arith.constant 0 : i32
    %c0_i32_0 = arith.constant 0 : i32
    return %c0_i32, %arg0 : i32, i32
  }
}

</mosaic_0001>

<sc_bundles>
// kernel: kernel.4.cloned.1.call-start
scs
__scs_entry_jumppad:
0x0: {  	(pc) =	sbr.rel $0x88, $3  }
0x1: {  	(tag) =	ssettag $0x0;
	lr =	simm.s32 $0x1  }
0x2: {  	[smem:$0x3F95] =	sst lr;
	_ =	strace $0xD0000000  }
0x3: {  	_ = 	snop  }
0x4: {  	_ = 	snop  }
0x5: {  	_ = 	snop  }
0x6: {  	_ = 	snop  }
0x7: {  	_ = 	snop  }
__scs_overlays_trampoline_lowered:
0x8: {  	[smem:$0x3FA4] =	sst s0  }
0x9: {  	[smem:$0x3FA5] =	sst s1  }
0xa: {  	[smem:$0x3FA6] =	sst s2  }
0xb: {  	[smem:$0x3FA7] =	sst s3  }
0xc: {  	[smem:$0x3FA8] =	sst s4  }
0xd: {  	[smem:$0x3FA9] =	sst s5  }
0xe: {  	[smem:$0x3FAA] =	sst s6  }
0xf: {  	[smem:$0x3FAB] =	sst s7  }
0x10: {  	[smem:$0x3FAC] =	sst s8  }
0x11: {  	[smem:$0x3FAD] =	sst s9;
	s0 =	simm.s32 @!p0 $0x0  }
0x12: {  	s1 =	sld [smem:$0x3F93];
	s0 =	simm.s32 @p0 $0x1  }
0x13: {  	[smem:$0x3FAE] =	sst s0;
	s0 =	simm.s32 @!p1 $0x0  }
0x14: {  	s2 =	sld [smem:$0x3F92];
	s0 =	simm.s32 @p1 $0x1  }
0x15: {  	[smem:$0x3FAF] =	sst s0;
	s0 =	simm.s32 @!p2 $0x0  }
0x16: {  	s3 =	sld [smem:$0x3FDB];
	s0 =	simm.s32 @p2 $0x1  }
0x17: {  	s4 =	simm.s32 $0x1BF5;
	[smem:$0x3FB1] =	sst s0  }
0x18: {  	s0 =	sld [smem:$0x3F94];
	_ =	swait.ge [sflag:s4], $0x0  }
0x19: {  	s7 =	sld [smem:$0x3F95]  }
0x1a: {  	s8 =	sadd.s32 $0xFFFFE003, lr  }
0x1b: {  	s9 =	sadd.s32 $0xFFFFFEF7, lr;
	s5 =	simm.s32 $0xFFFFFFFF;
	p2 =	slt.u32 s8, $0xFFFFF086  }
0x1c: {  	p1 =	slt.u32 s9, $0xF7A;
	s5 =	simm.s32 @!p2 $0x0  }
0x1d: {  	s5 =	simm.s32 @p1 $0x1;
	p0 =	seq.s32 s7, s2  }
0x1e: {  	s7 =	smul.u32 @!p0 $0xF7A, s2;
	p2 =	seq.s32 @!p0 s5, $0x0  }
0x1f: {  	s9 =	smul.u32 $0xF7A, s1;
	s8 =	simm.s32 @!p0 $0x1BF5;
	p2 =	por !p2, p0  }
0x20: {  	[sflag:s8] =	ssyncset.s32 @!p0 $0xFFFFF086;
	s6 =	sadd.s32 @!p0 s3, s7;
	s7 =	simm.s32 @!p0 $0x108  }
0x21: {  	s3 =	sadd.s32 s3, s9;
	s6 =	sadd.s32 @!p0 $0x88, s6;
	s7 =	simm.s32 @p2 $0x1082  }
0x22: {  	[simem:s7], [sflag:s8] =	dma.local @!p0 [hbm:s6], $0xF7A  }
0x23: {  	s9 =	sor.u32 $0xD0000000, s2;
	s6 =	simm.s32 $0x108;
	_ =	swait.ge @!p0 [sflag:s8], $0x0  }
0x24: {  	s3 =	sadd.s32 $0x88, s3;
	s6 =	simm.s32 @!p1 $0x1082;
	[sflag:s4] =	ssyncset.s32 $0xFFFFF086  }
0x25: {  	[simem:s6], [sflag:s4] =	dma.local [hbm:s3], $0xF7A  }
0x26: {  	[smem:$0x3F95] =	sst s1;
	(tag) =	ssettag s2;
	_ =	strace s9  }
0x27: {  	s1 =	sld [smem:$0x3FA5]  }
0x28: {  	s2 =	sld [smem:$0x3FA6]  }
0x29: {  	s4 =	sld [smem:$0x3FA8]  }
0x2a: {  	p0 =	seq.s32 s5, $0x0;
	s5 =	sld [smem:$0x3FA9]  }
0x2b: {  	s6 =	sld [smem:$0x3FAA]  }
0x2c: {  	s7 =	sld [smem:$0x3FAB]  }
0x2d: {  	s3 =	simm.s32 $0x108;
	s8 =	sld [smem:$0x3FAC]  }
0x2e: {  	s3 =	simm.s32 @!p0 $0x1082;
	s9 =	sld [smem:$0x3FAD]  }
0x2f: {  	lr =	sadd.s32 s0, s3;
	s0 =	sld [smem:$0x3FA4]  }
0x30: {  	s3 =	sld [smem:$0x3FA7]  }
0x31: {  	[smem:$0x3FB0] =	sst s10  }
0x32: {  	s10 =	sld [smem:$0x3FAE];
	_ =	sdelay $0x3  }
0x33: {  	p0 =	seq.s32 s10, $0x1;
	s10 =	sld [smem:$0x3FB0];
	_ =	sdelay $0x3  }
0x34: {  	[smem:$0x3FB0] =	sst s10  }
0x35: {  	s10 =	sld [smem:$0x3FAF];
	_ =	sdelay $0x3  }
0x36: {  	p1 =	seq.s32 s10, $0x1;
	s10 =	sld [smem:$0x3FB0];
	_ =	sdelay $0x3  }
0x37: {  	[smem:$0x3FB0] =	sst s10  }
0x38: {  	s10 =	sld [smem:$0x3FB1]  }
0x39: {  	_ = 	snop;
	(pc) =	sbr.ind lr, $3  }
0x3a: {  	_ = 	snop  }
0x3b: {  	_ = 	snop  }
0x3c: {  	p2 =	seq.s32 s10, $0x1;
	s10 =	sld [smem:$0x3FB0]  }
0x3d: {  	_ =	shalt  }
0x3e: {  	_ =	shalt  }
0x3f: {  	_ =	shalt  }
0x40: {  	_ =	shalt  }
0x41: {  	_ =	shalt  }
0x42: {  	_ =	shalt  }
0x43: {  	_ =	shalt  }
0x44: {  	_ =	shalt  }
0x45: {  	_ =	shalt  }
0x46: {  	_ =	shalt  }
0x47: {  	_ =	shalt  }
0x48: {  	_ =	shalt  }
0x49: {  	_ =	shalt  }
0x4a: {  	_ =	shalt  }
0x4b: {  	_ =	shalt  }
0x4c: {  	_ =	shalt  }
0x4d: {  	_ =	shalt  }
0x4e: {  	_ =	shalt  }
0x4f: {  	_ =	shalt  }
0x50: {  	_ =	shalt  }
0x51: {  	_ =	shalt  }
0x52: {  	_ =	shalt  }
0x53: {  	_ =	shalt  }
0x54: {  	_ =	shalt  }
0x55: {  	_ =	shalt  }
0x56: {  	_ =	shalt  }
0x57: {  	_ =	shalt  }
0x58: {  	_ =	shalt  }
0x59: {  	_ =	shalt  }
0x5a: {  	_ =	shalt  }
0x5b: {  	_ =	shalt  }
0x5c: {  	_ =	shalt  }
0x5d: {  	_ =	shalt  }
0x5e: {  	_ =	shalt  }
0x5f: {  	_ =	shalt  }
0x60: {  	_ =	shalt  }
0x61: {  	_ =	shalt  }
0x62: {  	_ =	shalt  }
0x63: {  	_ =	shalt  }
0x64: {  	_ =	shalt  }
0x65: {  	_ =	shalt  }
0x66: {  	_ =	shalt  }
0x67: {  	_ =	shalt  }
0x68: {  	_ =	shalt  }
0x69: {  	_ =	shalt  }
0x6a: {  	_ =	shalt  }
0x6b: {  	_ =	shalt  }
0x6c: {  	_ =	shalt  }
0x6d: {  	_ =	shalt  }
0x6e: {  	_ =	shalt  }
0x6f: {  	_ =	shalt  }
0x70: {  	_ =	shalt  }
0x71: {  	_ =	shalt  }
0x72: {  	_ =	shalt  }
0x73: {  	_ =	shalt  }
0x74: {  	_ =	shalt  }
0x75: {  	_ =	shalt  }
0x76: {  	_ =	shalt  }
0x77: {  	_ =	shalt  }
0x78: {  	_ =	shalt  }
0x79: {  	_ =	shalt  }
0x7a: {  	_ =	shalt  }
0x7b: {  	_ =	shalt  }
0x7c: {  	_ =	shalt  }
0x7d: {  	_ =	shalt  }
0x7e: {  	_ =	shalt  }
0x7f: {  	_ =	shalt  }
0x80: {  	_ =	shalt  }
0x81: {  	_ =	shalt  }
0x82: {  	_ =	shalt  }
0x83: {  	_ =	shalt  }
0x84: {  	_ =	shalt  }
0x85: {  	_ =	shalt  }
0x86: {  	_ =	shalt  }
0x87: {  	_ =	shalt  }
.Lfunc_end0:
.L_simem_size_0:
called_computation_lowered:
.L_overlay_start_0:
0x88: {  	s2 =	sld [smem:$0x3FD9]  }
0x89: {  	s3 =	sld [smem:$0x3FFE];
	_ =	sdelay $0x1  }
0x8a: {  	s1 =	srdreg.scid  }
0x8b: {  	s0 =	sand.u32 $0x1, s1  }
0x8c: {  	s17 =	sshll.u32 s0, $0xA;
	s2 =	sadd.s32 s3, s2  }
0x8d: {  	s2 =	sadd.s32 s2, s17  }
0x8e: {  	[smem:$0x3FBC] =	sst s2  }
0x8f: {  	_ = 	snop  }
0x90: {  	s2 =	sld [smem:$0x3FC8]  }
0x91: {  	s18 =	sld [smem:$0x3FD0];
	(tm) =	ssettm $0x1  }
0x92: {  	s4 =	sld [smem:$0x3FFB];
	_ =	sdelay $0x3  }
0x93: {  	_ =	strace s4  }
0x94: {  	s4 =	sld [smem:$0x3FFC];
	_ =	sdelay $0x3  }
0x95: {  	_ =	strace s4  }
0x96: {  	s4 =	sld [smem:$0x3FFD];
	_ =	sdelay $0x3  }
0x97: {  	_ =	strace s4  }
0x98: {  	_ =	strace $0x8FFFFFFF  }
0x99: {  	s19 =	sld [smem:$0x3FDB];
	_ =	sdelay $0x1  }
0x9a: {  	s5 =	simm.s32 $_scs_section_size  }
0x9b: {  	s6 =	simm.s32 $_size__tile_overlayer_lowered;
	s7 =	simm.s32 $_tile_overlayer_lowered  }
0x9c: {  	s22 =	simm.s32 $0x1BFF;
	s21 =	sshll.u32 s7, $0x1;
	s4 =	sadd.s32 s5, s19  }
0x9d: {  	s8 =	simm.s32 $0x0;
	s20 =	sshll.u32 s6, $0x1;
	s6 =	sadd.s32 s21, s4  }
0x9e: {  	[timem:s8], [sflag:s22] =	dma.local [hbm:s6], s20  }
0x9f: {  	_ =	swait.ge [sflag:s22], s20  }
0xa0: {  	s5 =	ssub.s32 $0x0, s20;
	[sflag:s22] =	ssyncset.done $0x0  }
0xa1: {  	[sflag:s22] =	ssyncadd.s32 s5;
	_ =	sdelay $0x1  }
0xa2: {  	s23 =	simm.s32 $0x1B8B  }
0xa3: {  	_ =	swait.ge [sflag:s23], $0x1  }
0xa4: {  	[sflag:s23] =	ssyncset.done $0x0  }
0xa5: {  	s25 =	simm.s32 $0x1B8E;
	s24 =	sld [smem:$0x3FFE];
	[sflag:s23] =	ssyncadd.s32 $0xFFFFFFFF  }
0xa6: {  	s26 =	simm.s32 $execute0_lowered;
	[smem:$0x3FD2] =	sst s25  }
0xa7: {  	s6 =	sshll.u32 s26, $0x1;
	_ =	strace $0x80000046;
	[dreg:$0x1] =	wrdreg $0xFFFFFFFF  }
0xa8: {  	s28 =	simm.s32 $_size_execute0_lowered;
	s4 =	sadd.s32 s4, s6;
	[dreg:$0x0] =	wrdreg $0x0  }
0xa9: {  	s6 =	sshll.u32 s28, $0x1;
	[dreg:$0x2] =	wrdreg s4  }
0xaa: {  	[dreg:$0x3] =	wrdreg s6  }
0xab: {  	[dreg:$0x4] =	wrdreg $0xC0  }
0xac: {  	_ =	task [dreg:s8], $0x5FFFF  }
0xad: {  	[dreg:$0x1] =	wrdreg $0xFFFFFFFF  }
0xae: {  	[dreg:$0x0] =	wrdreg $0x60  }
0xaf: {  	[dreg:$0x2] =	wrdreg s2  }
0xb0: {  	[dreg:$0x3] =	wrdreg s18  }
0xb1: {  	[dreg:$0x4] =	wrdreg s24  }
0xb2: {  	[dreg:$0x5] =	wrdreg $0x9  }
0xb3: {  	_ =	task.clear_ibuf [dreg:s8], $0x6FFFF;
	_ =	strace $0x90000046  }
0xb4: {  	s29 =	simm.s32 $0x9;
	_ =	strace $0x80000048  }
0xb5: {  	_ =	swait.ge [sflag:s29], $0x1  }
0xb6: {  	[sflag:s29] =	ssyncadd.s32 $0xFFFFFFFF  }
0xb7: {  	_ =	strace $0x90000048  }
0xb8: {  	_ =	sfence  }
0xb9: {  	s30 =	sld [smem:$0x0];
	_ =	sdelay $0x2  }
0xba: {  	s31 =	sshll.u32 s1, $0xD;
	s1 =	sshrl.u32 s1, $0x2  }
0xbb: {  	s3 =	sand.u32 $0x4000, s31;
	s1 =	sadd.s32 s1, s30  }
0xbc: {  	s0 =	sor.u32 s3, s0;
	s1 =	sshll.u32 s1, $0x11  }
0xbd: {  	s0 =	sor.u32 s1, s0  }
0xbe: {  	s0 =	sadd.s32 $0x8F2B, s0  }
0xbf: {  	[sflag:s0] =	ssyncadd.remote.s32 $0x1  }
0xc0: {  	_ =	sfence.sel $0xFFFF  }
0xc1: {  	[dreg:$0x0] =	wrdreg $0xFFFFFFFF;
	(pc) =	sbr.abs _section_cstart, $3  }
0xc2: {  	[dreg:$0x1] =	wrdreg $0xFFFFFFFF  }
0xc3: {  	_ =	task.clear_ibuf [dreg:s8], $0x2FFFF;
	_ =	strace $0x9FFFFFFF  }
0xc4: {  	(tm) =	ssettm $0x7FFFFFFF  }
0xc5: {  	_ =	shalt  }
tec
execute0_lowered:
.L_overlay_start_1:
0x0: {  	(tag) =	ssettag $0x1  }
0x1: {  	s3 =	rddreg [dreg:$0x0];
	s0 =	stileid.u32  }
0x2: {  	s4 =	rddreg [dreg:$0x1];
	s1 =	srdreg.scid  }
0x3: {  	s5 =	rddreg [dreg:$0x2];
	s12 =	simm.s32 $0x2780;
	s13 =	simm.s32 $0x4780  }
0x4: {  	s14 =	simm.s32 $0x0;
	s2 =	sshll.u32 s0, $0x1;
	s6 =	sand.u32 $0x1, s1  }
0x5: {  	s1 =	rddreg [dreg:$0x3];
	s8 =	sshrl.u32 s0, $0x1;
	s2 =	sand.u32 $0x2, s2  }
0x6: {  	s10 =	sshll.u32 s8, $0xB;
	s28 =	ssub.s32 $0x2, s6;
	s8 =	sshll.u32 s8, $0xA  }
0x7: {  	s7 =	sor.u32 s6, s2;
	s2 =	simm.s32 $0x0;
	s6 =	sshrl.u32 s28, $0x1  }
0x8: {  	s31 =	sadd.s32 s3, s8;
	s8 =	simm.s32 $0x80;
	s9 =	sshll.u32 s7, $0xE  }
0x9: {  	[smem:$0x7FF] =	sst s2;
	s29 =	smul.u32 $0x3E8, s7;
	s11 =	ssub.s32 s28, s6  }
0xa: {  	s30 =	sshll.u32 s7, $0x4;
	s9 =	sor.u32 s10, s9;
	_ =	strace $0x80000047  }
0xb: {  	s7 =	smax.u32 s11, $0x1;
	s10 =	simm.s32 $0x1F80;
	s11 =	simm.s32 $0x1  }
0xc: {  	s9 =	sadd.s32 s9, s5;
	s3 =	sadd.s32 s4, s29;
	s4 =	sadd.s32 s30, s31  }
0xd: {  	s5 =	sadd.s32 $0x1C00, s9;
	s6 =	sadd.s32 $0x2000, s9;
	s9 =	simm.s32 $0x200  }
.LBB2_1:
0xe: {  	[tilespmem:s2], [sflag:$0x1] =	stream.linear.gather [hbm4b:s3+s2], $0x1F40, $0x38;
	[tilespmem:$0x6780] =	vst v63  }
0xf: {  	_ = 	snop  }
0x10: {  	[tilespmem:s10], [sflag:$0x1] =	stream.strided.gather [hbm4b:s4+s8], $0x800, s9, s8, $0x38;
	[tilespmem:$0x6780] =	vst v63  }
0x11: {  	_ =	swait.ge [sflag:s11], $0x1F40  }
0x12: {  	[sflag:s11] =	ssyncset.done $0x0  }
0x13: {  	[sflag:s11] =	ssyncadd.s32 $0xFFFFE0C0  }
0x14: {  	_ =	swait.ge [sflag:s11], $0x800  }
0x15: {  	s15 =	simm.s32 $0xFFFFFFF8;
	[sflag:s11] =	ssyncset.done $0x0  }
0x16: {  	s16 =	simm.s32 $0x2980;
	s17 =	simm.s32 $0x1FC0;
	[sflag:s11] =	ssyncadd.s32 $0xFFFFF800  }
.LBB2_2:
0x17: {  	v0 =	vld [tilespmem:s17+$0xFFFFFFC0];
	_ =	sdelay $0x4  }
0x18: {  	v0 =	vshll.u32 v0, $0x3;
	_ =	sdelay $0x4  }
0x19: {  	v1 =	vld.idx.msk [tilespmem:v0+s2+$0x0], $0xffff  }
0x1a: {  	v2 =	vor.u32 $0x1, v0;
	_ =	sdelay $0x3  }
0x1b: {  	[tilespmem:s16+$0xFFFFFE00] =	vst v1  }
0x1c: {  	v1 =	vld.idx.msk [tilespmem:v2+s2+$0x0], $0xffff  }
0x1d: {  	v17 =	vor.u32 $0x2, v0;
	_ =	sdelay $0x3  }
0x1e: {  	[tilespmem:s16+$0xFFFFFE80] =	vst v1  }
0x1f: {  	v1 =	vld.idx.msk [tilespmem:v17+s2+$0x0], $0xffff  }
0x20: {  	v18 =	vor.u32 $0x3, v0;
	_ =	sdelay $0x3  }
0x21: {  	[tilespmem:s16+$0xFFFFFF00] =	vst v1  }
0x22: {  	v1 =	vld.idx.msk [tilespmem:v18+s2+$0x0], $0xffff  }
0x23: {  	v19 =	vor.u32 $0x4, v0;
	_ =	sdelay $0x3  }
0x24: {  	[tilespmem:s16+$0xFFFFFF80] =	vst v1  }
0x25: {  	v1 =	vld.idx.msk [tilespmem:v19+s2+$0x0], $0xffff  }
0x26: {  	v20 =	vor.u32 $0x5, v0;
	_ =	sdelay $0x3  }
0x27: {  	[tilespmem:s16+$0x0] =	vst v1  }
0x28: {  	v1 =	vld.idx.msk [tilespmem:v20+s2+$0x0], $0xffff  }
0x29: {  	v21 =	vor.u32 $0x6, v0;
	_ =	sdelay $0x3  }
0x2a: {  	[tilespmem:s16+$0x80] =	vst v1  }
0x2b: {  	v1 =	vld.idx.msk [tilespmem:v21+s2+$0x0], $0xffff  }
0x2c: {  	v0 =	vor.u32 $0x7, v0;
	_ =	sdelay $0x3  }
0x2d: {  	[tilespmem:s16+$0x100] =	vst v1  }
0x2e: {  	v0 =	vld.idx.msk [tilespmem:v0+s2+$0x0], $0xffff;
	_ =	sdelay $0x4  }
0x2f: {  	[tilespmem:s16+$0x180] =	vst v0  }
0x30: {  	v0 =	vld [tilespmem:s17+$0xFFFFFFD0];
	_ =	sdelay $0x4  }
0x31: {  	v0 =	vshll.u32 v0, $0x3;
	_ =	sdelay $0x4  }
0x32: {  	v1 =	vld.idx.msk [tilespmem:v0+s2+$0x0], $0xffff  }
0x33: {  	v22 =	vor.u32 $0x1, v0;
	_ =	sdelay $0x3  }
0x34: {  	[tilespmem:s16+$0xFFFFFE10] =	vst v1  }
0x35: {  	v1 =	vld.idx.msk [tilespmem:v22+s2+$0x0], $0xffff  }
0x36: {  	v23 =	vor.u32 $0x2, v0;
	_ =	sdelay $0x3  }
0x37: {  	[tilespmem:s16+$0xFFFFFE90] =	vst v1  }
0x38: {  	v1 =	vld.idx.msk [tilespmem:v23+s2+$0x0], $0xffff  }
0x39: {  	v24 =	vor.u32 $0x3, v0;
	_ =	sdelay $0x3  }
0x3a: {  	[tilespmem:s16+$0xFFFFFF10] =	vst v1  }
0x3b: {  	v1 =	vld.idx.msk [tilespmem:v24+s2+$0x0], $0xffff  }
0x3c: {  	v25 =	vor.u32 $0x4, v0;
	_ =	sdelay $0x3  }
0x3d: {  	[tilespmem:s16+$0xFFFFFF90] =	vst v1  }
0x3e: {  	v1 =	vld.idx.msk [tilespmem:v25+s2+$0x0], $0xffff  }
0x3f: {  	v26 =	vor.u32 $0x5, v0;
	_ =	sdelay $0x3  }
0x40: {  	[tilespmem:s16+$0x10] =	vst v1  }
0x41: {  	v1 =	vld.idx.msk [tilespmem:v26+s2+$0x0], $0xffff  }
0x42: {  	v27 =	vor.u32 $0x6, v0;
	_ =	sdelay $0x3  }
0x43: {  	[tilespmem:s16+$0x90] =	vst v1  }
0x44: {  	v1 =	vld.idx.msk [tilespmem:v27+s2+$0x0], $0xffff  }
0x45: {  	v0 =	vor.u32 $0x7, v0;
	_ =	sdelay $0x3  }
0x46: {  	[tilespmem:s16+$0x110] =	vst v1  }
0x47: {  	v0 =	vld.idx.msk [tilespmem:v0+s2+$0x0], $0xffff;
	_ =	sdelay $0x4  }
0x48: {  	[tilespmem:s16+$0x190] =	vst v0  }
0x49: {  	v0 =	vld [tilespmem:s17+$0xFFFFFFE0];
	_ =	sdelay $0x4  }
0x4a: {  	v0 =	vshll.u32 v0, $0x3;
	_ =	sdelay $0x4  }
0x4b: {  	v1 =	vld.idx.msk [tilespmem:v0+s2+$0x0], $0xffff  }
0x4c: {  	v28 =	vor.u32 $0x1, v0;
	_ =	sdelay $0x3  }
0x4d: {  	[tilespmem:s16+$0xFFFFFE20] =	vst v1  }
0x4e: {  	v1 =	vld.idx.msk [tilespmem:v28+s2+$0x0], $0xffff  }
0x4f: {  	v29 =	vor.u32 $0x2, v0;
	_ =	sdelay $0x3  }
0x50: {  	[tilespmem:s16+$0xFFFFFEA0] =	vst v1  }
0x51: {  	v1 =	vld.idx.msk [tilespmem:v29+s2+$0x0], $0xffff  }
0x52: {  	v30 =	vor.u32 $0x3, v0;
	_ =	sdelay $0x3  }
0x53: {  	[tilespmem:s16+$0xFFFFFF20] =	vst v1  }
0x54: {  	v1 =	vld.idx.msk [tilespmem:v30+s2+$0x0], $0xffff  }
0x55: {  	v31 =	vor.u32 $0x4, v0;
	_ =	sdelay $0x3  }
0x56: {  	[tilespmem:s16+$0xFFFFFFA0] =	vst v1  }
0x57: {  	v1 =	vld.idx.msk [tilespmem:v31+s2+$0x0], $0xffff  }
0x58: {  	v32 =	vor.u32 $0x5, v0;
	_ =	sdelay $0x3  }
0x59: {  	[tilespmem:s16+$0x20] =	vst v1  }
0x5a: {  	v1 =	vld.idx.msk [tilespmem:v32+s2+$0x0], $0xffff  }
0x5b: {  	v33 =	vor.u32 $0x6, v0;
	_ =	sdelay $0x3  }
0x5c: {  	[tilespmem:s16+$0xA0] =	vst v1  }
0x5d: {  	v1 =	vld.idx.msk [tilespmem:v33+s2+$0x0], $0xffff  }
0x5e: {  	v0 =	vor.u32 $0x7, v0;
	_ =	sdelay $0x3  }
0x5f: {  	[tilespmem:s16+$0x120] =	vst v1  }
0x60: {  	v0 =	vld.idx.msk [tilespmem:v0+s2+$0x0], $0xffff;
	_ =	sdelay $0x4  }
0x61: {  	[tilespmem:s16+$0x1A0] =	vst v0  }
0x62: {  	v0 =	vld [tilespmem:s17+$0xFFFFFFF0];
	_ =	sdelay $0x4  }
0x63: {  	v0 =	vshll.u32 v0, $0x3;
	_ =	sdelay $0x4  }
0x64: {  	v1 =	vld.idx.msk [tilespmem:v0+s2+$0x0], $0xffff  }
0x65: {  	v34 =	vor.u32 $0x1, v0;
	_ =	sdelay $0x3  }
0x66: {  	[tilespmem:s16+$0xFFFFFE30] =	vst v1  }
0x67: {  	v1 =	vld.idx.msk [tilespmem:v34+s2+$0x0], $0xffff  }
0x68: {  	v35 =	vor.u32 $0x2, v0;
	_ =	sdelay $0x3  }
0x69: {  	[tilespmem:s16+$0xFFFFFEB0] =	vst v1  }
0x6a: {  	v1 =	vld.idx.msk [tilespmem:v35+s2+$0x0], $0xffff  }
0x6b: {  	v36 =	vor.u32 $0x3, v0;
	_ =	sdelay $0x3  }
0x6c: {  	[tilespmem:s16+$0xFFFFFF30] =	vst v1  }
0x6d: {  	v1 =	vld.idx.msk [tilespmem:v36+s2+$0x0], $0xffff  }
0x6e: {  	v37 =	vor.u32 $0x4, v0;
	_ =	sdelay $0x3  }
0x6f: {  	[tilespmem:s16+$0xFFFFFFB0] =	vst v1  }
0x70: {  	v1 =	vld.idx.msk [tilespmem:v37+s2+$0x0], $0xffff  }
0x71: {  	v38 =	vor.u32 $0x5, v0;
	_ =	sdelay $0x3  }
0x72: {  	[tilespmem:s16+$0x30] =	vst v1  }
0x73: {  	v1 =	vld.idx.msk [tilespmem:v38+s2+$0x0], $0xffff  }
0x74: {  	v39 =	vor.u32 $0x6, v0;
	_ =	sdelay $0x3  }
0x75: {  	[tilespmem:s16+$0xB0] =	vst v1  }
0x76: {  	v1 =	vld.idx.msk [tilespmem:v39+s2+$0x0], $0xffff  }
0x77: {  	v0 =	vor.u32 $0x7, v0;
	_ =	sdelay $0x3  }
0x78: {  	[tilespmem:s16+$0x130] =	vst v1  }
0x79: {  	v0 =	vld.idx.msk [tilespmem:v0+s2+$0x0], $0xffff;
	_ =	sdelay $0x4  }
0x7a: {  	[tilespmem:s16+$0x1B0] =	vst v0  }
0x7b: {  	v0 =	vld [tilespmem:s17+$0x0];
	_ =	sdelay $0x4  }
0x7c: {  	v0 =	vshll.u32 v0, $0x3;
	_ =	sdelay $0x4  }
0x7d: {  	v1 =	vld.idx.msk [tilespmem:v0+s2+$0x0], $0xffff  }
0x7e: {  	v40 =	vor.u32 $0x1, v0;
	_ =	sdelay $0x3  }
0x7f: {  	[tilespmem:s16+$0xFFFFFE40] =	vst v1  }
0x80: {  	v1 =	vld.idx.msk [tilespmem:v40+s2+$0x0], $0xffff  }
0x81: {  	v41 =	vor.u32 $0x2, v0;
	_ =	sdelay $0x3  }
0x82: {  	[tilespmem:s16+$0xFFFFFEC0] =	vst v1  }
0x83: {  	v1 =	vld.idx.msk [tilespmem:v41+s2+$0x0], $0xffff  }
0x84: {  	v42 =	vor.u32 $0x3, v0;
	_ =	sdelay $0x3  }
0x85: {  	[tilespmem:s16+$0xFFFFFF40] =	vst v1  }
0x86: {  	v1 =	vld.idx.msk [tilespmem:v42+s2+$0x0], $0xffff  }
0x87: {  	v43 =	vor.u32 $0x4, v0;
	_ =	sdelay $0x3  }
0x88: {  	[tilespmem:s16+$0xFFFFFFC0] =	vst v1  }
0x89: {  	v1 =	vld.idx.msk [tilespmem:v43+s2+$0x0], $0xffff  }
0x8a: {  	v44 =	vor.u32 $0x5, v0;
	_ =	sdelay $0x3  }
0x8b: {  	[tilespmem:s16+$0x40] =	vst v1  }
0x8c: {  	v1 =	vld.idx.msk [tilespmem:v44+s2+$0x0], $0xffff  }
0x8d: {  	v45 =	vor.u32 $0x6, v0;
	_ =	sdelay $0x3  }
0x8e: {  	[tilespmem:s16+$0xC0] =	vst v1  }
0x8f: {  	v1 =	vld.idx.msk [tilespmem:v45+s2+$0x0], $0xffff  }
0x90: {  	v0 =	vor.u32 $0x7, v0;
	_ =	sdelay $0x3  }
0x91: {  	[tilespmem:s16+$0x140] =	vst v1  }
0x92: {  	v0 =	vld.idx.msk [tilespmem:v0+s2+$0x0], $0xffff;
	_ =	sdelay $0x4  }
0x93: {  	[tilespmem:s16+$0x1C0] =	vst v0  }
0x94: {  	v0 =	vld [tilespmem:s17+$0x10];
	_ =	sdelay $0x4  }
0x95: {  	v0 =	vshll.u32 v0, $0x3;
	_ =	sdelay $0x4  }
0x96: {  	v1 =	vld.idx.msk [tilespmem:v0+s2+$0x0], $0xffff  }
0x97: {  	v46 =	vor.u32 $0x1, v0;
	_ =	sdelay $0x3  }
0x98: {  	[tilespmem:s16+$0xFFFFFE50] =	vst v1  }
0x99: {  	v1 =	vld.idx.msk [tilespmem:v46+s2+$0x0], $0xffff  }
0x9a: {  	v47 =	vor.u32 $0x2, v0;
	_ =	sdelay $0x3  }
0x9b: {  	[tilespmem:s16+$0xFFFFFED0] =	vst v1  }
0x9c: {  	v1 =	vld.idx.msk [tilespmem:v47+s2+$0x0], $0xffff  }
0x9d: {  	v48 =	vor.u32 $0x3, v0;
	_ =	sdelay $0x3  }
0x9e: {  	[tilespmem:s16+$0xFFFFFF50] =	vst v1  }
0x9f: {  	v1 =	vld.idx.msk [tilespmem:v48+s2+$0x0], $0xffff  }
0xa0: {  	v49 =	vor.u32 $0x4, v0;
	_ =	sdelay $0x3  }
0xa1: {  	[tilespmem:s16+$0xFFFFFFD0] =	vst v1  }
0xa2: {  	v1 =	vld.idx.msk [tilespmem:v49+s2+$0x0], $0xffff  }
0xa3: {  	v50 =	vor.u32 $0x5, v0;
	_ =	sdelay $0x3  }
0xa4: {  	[tilespmem:s16+$0x50] =	vst v1  }
0xa5: {  	v1 =	vld.idx.msk [tilespmem:v50+s2+$0x0], $0xffff  }
0xa6: {  	v51 =	vor.u32 $0x6, v0;
	_ =	sdelay $0x3  }
0xa7: {  	[tilespmem:s16+$0xD0] =	vst v1  }
0xa8: {  	v1 =	vld.idx.msk [tilespmem:v51+s2+$0x0], $0xffff  }
0xa9: {  	v0 =	vor.u32 $0x7, v0;
	_ =	sdelay $0x3  }
0xaa: {  	[tilespmem:s16+$0x150] =	vst v1  }
0xab: {  	v0 =	vld.idx.msk [tilespmem:v0+s2+$0x0], $0xffff;
	_ =	sdelay $0x4  }
0xac: {  	[tilespmem:s16+$0x1D0] =	vst v0  }
0xad: {  	v0 =	vld [tilespmem:s17+$0x20];
	_ =	sdelay $0x4  }
0xae: {  	v0 =	vshll.u32 v0, $0x3;
	_ =	sdelay $0x4  }
0xaf: {  	v1 =	vld.idx.msk [tilespmem:v0+s2+$0x0], $0xffff  }
0xb0: {  	v52 =	vor.u32 $0x1, v0;
	_ =	sdelay $0x3  }
0xb1: {  	[tilespmem:s16+$0xFFFFFE60] =	vst v1  }
0xb2: {  	v1 =	vld.idx.msk [tilespmem:v52+s2+$0x0], $0xffff  }
0xb3: {  	v53 =	vor.u32 $0x2, v0;
	_ =	sdelay $0x3  }
0xb4: {  	[tilespmem:s16+$0xFFFFFEE0] =	vst v1  }
0xb5: {  	v1 =	vld.idx.msk [tilespmem:v53+s2+$0x0], $0xffff  }
0xb6: {  	v54 =	vor.u32 $0x3, v0;
	_ =	sdelay $0x3  }
0xb7: {  	[tilespmem:s16+$0xFFFFFF60] =	vst v1  }
0xb8: {  	v1 =	vld.idx.msk [tilespmem:v54+s2+$0x0], $0xffff  }
0xb9: {  	v55 =	vor.u32 $0x4, v0;
	_ =	sdelay $0x3  }
0xba: {  	[tilespmem:s16+$0xFFFFFFE0] =	vst v1  }
0xbb: {  	v1 =	vld.idx.msk [tilespmem:v55+s2+$0x0], $0xffff  }
0xbc: {  	v56 =	vor.u32 $0x5, v0;
	_ =	sdelay $0x3  }
0xbd: {  	[tilespmem:s16+$0x60] =	vst v1  }
0xbe: {  	v1 =	vld.idx.msk [tilespmem:v56+s2+$0x0], $0xffff  }
0xbf: {  	v57 =	vor.u32 $0x6, v0;
	_ =	sdelay $0x3  }
0xc0: {  	[tilespmem:s16+$0xE0] =	vst v1  }
0xc1: {  	v1 =	vld.idx.msk [tilespmem:v57+s2+$0x0], $0xffff  }
0xc2: {  	v0 =	vor.u32 $0x7, v0;
	_ =	sdelay $0x3  }
0xc3: {  	[tilespmem:s16+$0x160] =	vst v1  }
0xc4: {  	v0 =	vld.idx.msk [tilespmem:v0+s2+$0x0], $0xffff;
	_ =	sdelay $0x4  }
0xc5: {  	[tilespmem:s16+$0x1E0] =	vst v0  }
0xc6: {  	v0 =	vld [tilespmem:s17+$0x30];
	_ =	sdelay $0x4  }
0xc7: {  	v0 =	vshll.u32 v0, $0x3;
	_ =	sdelay $0x4  }
0xc8: {  	v1 =	vld.idx.msk [tilespmem:v0+s2+$0x0], $0xffff  }
0xc9: {  	v58 =	vor.u32 $0x1, v0;
	_ =	sdelay $0x3  }
0xca: {  	[tilespmem:s16+$0xFFFFFE70] =	vst v1  }
0xcb: {  	v1 =	vld.idx.msk [tilespmem:v58+s2+$0x0], $0xffff  }
0xcc: {  	v59 =	vor.u32 $0x2, v0;
	_ =	sdelay $0x3  }
0xcd: {  	[tilespmem:s16+$0xFFFFFEF0] =	vst v1  }
0xce: {  	v1 =	vld.idx.msk [tilespmem:v59+s2+$0x0], $0xffff  }
0xcf: {  	v60 =	vor.u32 $0x3, v0;
	_ =	sdelay $0x3  }
0xd0: {  	[tilespmem:s16+$0xFFFFFF70] =	vst v1  }
0xd1: {  	v1 =	vld.idx.msk [tilespmem:v60+s2+$0x0], $0xffff  }
0xd2: {  	v61 =	vor.u32 $0x4, v0;
	_ =	sdelay $0x3  }
0xd3: {  	[tilespmem:s16+$0xFFFFFFF0] =	vst v1  }
0xd4: {  	v1 =	vld.idx.msk [tilespmem:v61+s2+$0x0], $0xffff  }
0xd5: {  	v62 =	vor.u32 $0x5, v0;
	_ =	sdelay $0x3  }
0xd6: {  	[tilespmem:s16+$0x70] =	vst v1  }
0xd7: {  	v1 =	vld.idx.msk [tilespmem:v62+s2+$0x0], $0xffff  }
0xd8: {  	v63 =	vor.u32 $0x6, v0;
	_ =	sdelay $0x3  }
0xd9: {  	[tilespmem:s16+$0xF0] =	vst v1  }
0xda: {  	v1 =	vld.idx.msk [tilespmem:v63+s2+$0x0], $0xffff  }
0xdb: {  	v0 =	vor.u32 $0x7, v0;
	_ =	sdelay $0x3  }
0xdc: {  	s15 =	sadd.s32 $0x8, s15;
	[tilespmem:s16+$0x170] =	vst v1  }
0xdd: {  	p0 =	slt.u32 s15, $0x38;
	v0 =	vld.idx.msk [tilespmem:v0+s2+$0x0], $0xffff  }
.Ltmp0:
0xde: {  	_ = 	snop;
	(pc) =	sbr.rel @p0 .LBB2_2-.Ltmp0, $2  }
0xdf: {  	_ =	sdelay $0x2  }
0xe0: {  	s17 =	sadd.s32 $0x80, s17;
	[tilespmem:s16+$0x1F0] =	vst v0;
	s16 =	sadd.s32 $0x400, s16  }
0xe1: {  	[hbm4b:s5+s2] =	stream.linear.scatter [tilespmem:s12], [sflag:$0x1], $0x2000, $0x38;
	[tilespmem:$0x6780] =	vst v63  }
0xe2: {  	s15 =	simm.s32 $0xFFFFFFF8;
	s16 =	simm.s32 $0x4B70;
	s17 =	simm.s32 $0x23F0  }
.LBB2_4:
0xe3: {  	v0 =	vld [tilespmem:s17+$0xFFFFFF90];
	_ =	sdelay $0x4  }
0xe4: {  	v0 =	vshll.u32 v0, $0x3;
	_ =	sdelay $0x4  }
0xe5: {  	v1 =	vld.idx.msk [tilespmem:v0+s2+$0x0], $0xffff  }
0xe6: {  	v2 =	vor.u32 $0x1, v0;
	_ =	sdelay $0x3  }
0xe7: {  	[tilespmem:s16+$0xFFFFFC10] =	vst v1  }
0xe8: {  	v1 =	vld.idx.msk [tilespmem:v2+s2+$0x0], $0xffff  }
0xe9: {  	v17 =	vor.u32 $0x2, v0;
	_ =	sdelay $0x3  }
0xea: {  	[tilespmem:s16+$0xFFFFFC90] =	vst v1  }
0xeb: {  	v1 =	vld.idx.msk [tilespmem:v17+s2+$0x0], $0xffff  }
0xec: {  	v18 =	vor.u32 $0x3, v0;
	_ =	sdelay $0x3  }
0xed: {  	[tilespmem:s16+$0xFFFFFD10] =	vst v1  }
0xee: {  	v1 =	vld.idx.msk [tilespmem:v18+s2+$0x0], $0xffff  }
0xef: {  	v19 =	vor.u32 $0x4, v0;
	_ =	sdelay $0x3  }
0xf0: {  	[tilespmem:s16+$0xFFFFFD90] =	vst v1  }
0xf1: {  	v1 =	vld.idx.msk [tilespmem:v19+s2+$0x0], $0xffff  }
0xf2: {  	v20 =	vor.u32 $0x5, v0;
	_ =	sdelay $0x3  }
0xf3: {  	[tilespmem:s16+$0xFFFFFE10] =	vst v1  }
0xf4: {  	v1 =	vld.idx.msk [tilespmem:v20+s2+$0x0], $0xffff  }
0xf5: {  	v21 =	vor.u32 $0x6, v0;
	_ =	sdelay $0x3  }
0xf6: {  	[tilespmem:s16+$0xFFFFFE90] =	vst v1  }
0xf7: {  	v1 =	vld.idx.msk [tilespmem:v21+s2+$0x0], $0xffff  }
0xf8: {  	v0 =	vor.u32 $0x7, v0;
	_ =	sdelay $0x3  }
0xf9: {  	[tilespmem:s16+$0xFFFFFF10] =	vst v1  }
0xfa: {  	v0 =	vld.idx.msk [tilespmem:v0+s2+$0x0], $0xffff;
	_ =	sdelay $0x4  }
0xfb: {  	[tilespmem:s16+$0xFFFFFF90] =	vst v0  }
0xfc: {  	v0 =	vld [tilespmem:s17+$0xFFFFFFA0];
	_ =	sdelay $0x4  }
0xfd: {  	v0 =	vshll.u32 v0, $0x3;
	_ =	sdelay $0x4  }
0xfe: {  	v1 =	vld.idx.msk [tilespmem:v0+s2+$0x0], $0xffff  }
0xff: {  	v22 =	vor.u32 $0x1, v0;
	_ =	sdelay $0x3  }
0x100: {  	[tilespmem:s16+$0xFFFFFC20] =	vst v1  }
0x101: {  	v1 =	vld.idx.msk [tilespmem:v22+s2+$0x0], $0xffff  }
0x102: {  	v23 =	vor.u32 $0x2, v0;
	_ =	sdelay $0x3  }
0x103: {  	[tilespmem:s16+$0xFFFFFCA0] =	vst v1  }
0x104: {  	v1 =	vld.idx.msk [tilespmem:v23+s2+$0x0], $0xffff  }
0x105: {  	v24 =	vor.u32 $0x3, v0;
	_ =	sdelay $0x3  }
0x106: {  	[tilespmem:s16+$0xFFFFFD20] =	vst v1  }
0x107: {  	v1 =	vld.idx.msk [tilespmem:v24+s2+$0x0], $0xffff  }
0x108: {  	v25 =	vor.u32 $0x4, v0;
	_ =	sdelay $0x3  }
0x109: {  	[tilespmem:s16+$0xFFFFFDA0] =	vst v1  }
0x10a: {  	v1 =	vld.idx.msk [tilespmem:v25+s2+$0x0], $0xffff  }
0x10b: {  	v26 =	vor.u32 $0x5, v0;
	_ =	sdelay $0x3  }
0x10c: {  	[tilespmem:s16+$0xFFFFFE20] =	vst v1  }
0x10d: {  	v1 =	vld.idx.msk [tilespmem:v26+s2+$0x0], $0xffff  }
0x10e: {  	v27 =	vor.u32 $0x6, v0;
	_ =	sdelay $0x3  }
0x10f: {  	[tilespmem:s16+$0xFFFFFEA0] =	vst v1  }
0x110: {  	v1 =	vld.idx.msk [tilespmem:v27+s2+$0x0], $0xffff  }
0x111: {  	v0 =	vor.u32 $0x7, v0;
	_ =	sdelay $0x3  }
0x112: {  	[tilespmem:s16+$0xFFFFFF20] =	vst v1  }
0x113: {  	v0 =	vld.idx.msk [tilespmem:v0+s2+$0x0], $0xffff;
	_ =	sdelay $0x4  }
0x114: {  	[tilespmem:s16+$0xFFFFFFA0] =	vst v0  }
0x115: {  	v0 =	vld [tilespmem:s17+$0xFFFFFFB0];
	_ =	sdelay $0x4  }
0x116: {  	v0 =	vshll.u32 v0, $0x3;
	_ =	sdelay $0x4  }
0x117: {  	v1 =	vld.idx.msk [tilespmem:v0+s2+$0x0], $0xffff  }
0x118: {  	v28 =	vor.u32 $0x1, v0;
	_ =	sdelay $0x3  }
0x119: {  	[tilespmem:s16+$0xFFFFFC30] =	vst v1  }
0x11a: {  	v1 =	vld.idx.msk [tilespmem:v28+s2+$0x0], $0xffff  }
0x11b: {  	v29 =	vor.u32 $0x2, v0;
	_ =	sdelay $0x3  }
0x11c: {  	[tilespmem:s16+$0xFFFFFCB0] =	vst v1  }
0x11d: {  	v1 =	vld.idx.msk [tilespmem:v29+s2+$0x0], $0xffff  }
0x11e: {  	v30 =	vor.u32 $0x3, v0;
	_ =	sdelay $0x3  }
0x11f: {  	[tilespmem:s16+$0xFFFFFD30] =	vst v1  }
0x120: {  	v1 =	vld.idx.msk [tilespmem:v30+s2+$0x0], $0xffff  }
0x121: {  	v31 =	vor.u32 $0x4, v0;
	_ =	sdelay $0x3  }
0x122: {  	[tilespmem:s16+$0xFFFFFDB0] =	vst v1  }
0x123: {  	v1 =	vld.idx.msk [tilespmem:v31+s2+$0x0], $0xffff  }
0x124: {  	v32 =	vor.u32 $0x5, v0;
	_ =	sdelay $0x3  }
0x125: {  	[tilespmem:s16+$0xFFFFFE30] =	vst v1  }
0x126: {  	v1 =	vld.idx.msk [tilespmem:v32+s2+$0x0], $0xffff  }
0x127: {  	v33 =	vor.u32 $0x6, v0;
	_ =	sdelay $0x3  }
0x128: {  	[tilespmem:s16+$0xFFFFFEB0] =	vst v1  }
0x129: {  	v1 =	vld.idx.msk [tilespmem:v33+s2+$0x0], $0xffff  }
0x12a: {  	v0 =	vor.u32 $0x7, v0;
	_ =	sdelay $0x3  }
0x12b: {  	[tilespmem:s16+$0xFFFFFF30] =	vst v1  }
0x12c: {  	v0 =	vld.idx.msk [tilespmem:v0+s2+$0x0], $0xffff;
	_ =	sdelay $0x4  }
0x12d: {  	[tilespmem:s16+$0xFFFFFFB0] =	vst v0  }
0x12e: {  	v0 =	vld [tilespmem:s17+$0xFFFFFFC0];
	_ =	sdelay $0x4  }
0x12f: {  	v0 =	vshll.u32 v0, $0x3;
	_ =	sdelay $0x4  }
0x130: {  	v1 =	vld.idx.msk [tilespmem:v0+s2+$0x0], $0xffff  }
0x131: {  	v34 =	vor.u32 $0x1, v0;
	_ =	sdelay $0x3  }
0x132: {  	[tilespmem:s16+$0xFFFFFC40] =	vst v1  }
0x133: {  	v1 =	vld.idx.msk [tilespmem:v34+s2+$0x0], $0xffff  }
0x134: {  	v35 =	vor.u32 $0x2, v0;
	_ =	sdelay $0x3  }
0x135: {  	[tilespmem:s16+$0xFFFFFCC0] =	vst v1  }
0x136: {  	v1 =	vld.idx.msk [tilespmem:v35+s2+$0x0], $0xffff  }
0x137: {  	v36 =	vor.u32 $0x3, v0;
	_ =	sdelay $0x3  }
0x138: {  	[tilespmem:s16+$0xFFFFFD40] =	vst v1  }
0x139: {  	v1 =	vld.idx.msk [tilespmem:v36+s2+$0x0], $0xffff  }
0x13a: {  	v37 =	vor.u32 $0x4, v0;
	_ =	sdelay $0x3  }
0x13b: {  	[tilespmem:s16+$0xFFFFFDC0] =	vst v1  }
0x13c: {  	v1 =	vld.idx.msk [tilespmem:v37+s2+$0x0], $0xffff  }
0x13d: {  	v38 =	vor.u32 $0x5, v0;
	_ =	sdelay $0x3  }
0x13e: {  	[tilespmem:s16+$0xFFFFFE40] =	vst v1  }
0x13f: {  	v1 =	vld.idx.msk [tilespmem:v38+s2+$0x0], $0xffff  }
0x140: {  	v39 =	vor.u32 $0x6, v0;
	_ =	sdelay $0x3  }
0x141: {  	[tilespmem:s16+$0xFFFFFEC0] =	vst v1  }
0x142: {  	v1 =	vld.idx.msk [tilespmem:v39+s2+$0x0], $0xffff  }
0x143: {  	v0 =	vor.u32 $0x7, v0;
	_ =	sdelay $0x3  }
0x144: {  	[tilespmem:s16+$0xFFFFFF40] =	vst v1  }
0x145: {  	v0 =	vld.idx.msk [tilespmem:v0+s2+$0x0], $0xffff;
	_ =	sdelay $0x4  }
0x146: {  	[tilespmem:s16+$0xFFFFFFC0] =	vst v0  }
0x147: {  	v0 =	vld [tilespmem:s17+$0xFFFFFFD0];
	_ =	sdelay $0x4  }
0x148: {  	v0 =	vshll.u32 v0, $0x3;
	_ =	sdelay $0x4  }
0x149: {  	v1 =	vld.idx.msk [tilespmem:v0+s2+$0x0], $0xffff  }
0x14a: {  	v40 =	vor.u32 $0x1, v0;
	_ =	sdelay $0x3  }
0x14b: {  	[tilespmem:s16+$0xFFFFFC50] =	vst v1  }
0x14c: {  	v1 =	vld.idx.msk [tilespmem:v40+s2+$0x0], $0xffff  }
0x14d: {  	v41 =	vor.u32 $0x2, v0;
	_ =	sdelay $0x3  }
0x14e: {  	[tilespmem:s16+$0xFFFFFCD0] =	vst v1  }
0x14f: {  	v1 =	vld.idx.msk [tilespmem:v41+s2+$0x0], $0xffff  }
0x150: {  	v42 =	vor.u32 $0x3, v0;
	_ =	sdelay $0x3  }
0x151: {  	[tilespmem:s16+$0xFFFFFD50] =	vst v1  }
0x152: {  	v1 =	vld.idx.msk [tilespmem:v42+s2+$0x0], $0xffff  }
0x153: {  	v43 =	vor.u32 $0x4, v0;
	_ =	sdelay $0x3  }
0x154: {  	[tilespmem:s16+$0xFFFFFDD0] =	vst v1  }
0x155: {  	v1 =	vld.idx.msk [tilespmem:v43+s2+$0x0], $0xffff  }
0x156: {  	v44 =	vor.u32 $0x5, v0;
	_ =	sdelay $0x3  }
0x157: {  	[tilespmem:s16+$0xFFFFFE50] =	vst v1  }
0x158: {  	v1 =	vld.idx.msk [tilespmem:v44+s2+$0x0], $0xffff  }
0x159: {  	v45 =	vor.u32 $0x6, v0;
	_ =	sdelay $0x3  }
0x15a: {  	[tilespmem:s16+$0xFFFFFED0] =	vst v1  }
0x15b: {  	v1 =	vld.idx.msk [tilespmem:v45+s2+$0x0], $0xffff  }
0x15c: {  	v0 =	vor.u32 $0x7, v0;
	_ =	sdelay $0x3  }
0x15d: {  	[tilespmem:s16+$0xFFFFFF50] =	vst v1  }
0x15e: {  	v0 =	vld.idx.msk [tilespmem:v0+s2+$0x0], $0xffff;
	_ =	sdelay $0x4  }
0x15f: {  	[tilespmem:s16+$0xFFFFFFD0] =	vst v0  }
0x160: {  	v0 =	vld [tilespmem:s17+$0xFFFFFFE0];
	_ =	sdelay $0x4  }
0x161: {  	v0 =	vshll.u32 v0, $0x3;
	_ =	sdelay $0x4  }
0x162: {  	v1 =	vld.idx.msk [tilespmem:v0+s2+$0x0], $0xffff  }
0x163: {  	v46 =	vor.u32 $0x1, v0;
	_ =	sdelay $0x3  }
0x164: {  	[tilespmem:s16+$0xFFFFFC60] =	vst v1  }
0x165: {  	v1 =	vld.idx.msk [tilespmem:v46+s2+$0x0], $0xffff  }
0x166: {  	v47 =	vor.u32 $0x2, v0;
	_ =	sdelay $0x3  }
0x167: {  	[tilespmem:s16+$0xFFFFFCE0] =	vst v1  }
0x168: {  	v1 =	vld.idx.msk [tilespmem:v47+s2+$0x0], $0xffff  }
0x169: {  	v48 =	vor.u32 $0x3, v0;
	_ =	sdelay $0x3  }
0x16a: {  	[tilespmem:s16+$0xFFFFFD60] =	vst v1  }
0x16b: {  	v1 =	vld.idx.msk [tilespmem:v48+s2+$0x0], $0xffff  }
0x16c: {  	v49 =	vor.u32 $0x4, v0;
	_ =	sdelay $0x3  }
0x16d: {  	[tilespmem:s16+$0xFFFFFDE0] =	vst v1  }
0x16e: {  	v1 =	vld.idx.msk [tilespmem:v49+s2+$0x0], $0xffff  }
0x16f: {  	v50 =	vor.u32 $0x5, v0;
	_ =	sdelay $0x3  }
0x170: {  	[tilespmem:s16+$0xFFFFFE60] =	vst v1  }
0x171: {  	v1 =	vld.idx.msk [tilespmem:v50+s2+$0x0], $0xffff  }
0x172: {  	v51 =	vor.u32 $0x6, v0;
	_ =	sdelay $0x3  }
0x173: {  	[tilespmem:s16+$0xFFFFFEE0] =	vst v1  }
0x174: {  	v1 =	vld.idx.msk [tilespmem:v51+s2+$0x0], $0xffff  }
0x175: {  	v0 =	vor.u32 $0x7, v0;
	_ =	sdelay $0x3  }
0x176: {  	[tilespmem:s16+$0xFFFFFF60] =	vst v1  }
0x177: {  	v0 =	vld.idx.msk [tilespmem:v0+s2+$0x0], $0xffff;
	_ =	sdelay $0x4  }
0x178: {  	[tilespmem:s16+$0xFFFFFFE0] =	vst v0  }
0x179: {  	v0 =	vld [tilespmem:s17+$0xFFFFFFF0];
	_ =	sdelay $0x4  }
0x17a: {  	v0 =	vshll.u32 v0, $0x3;
	_ =	sdelay $0x4  }
0x17b: {  	v1 =	vld.idx.msk [tilespmem:v0+s2+$0x0], $0xffff  }
0x17c: {  	v52 =	vor.u32 $0x1, v0;
	_ =	sdelay $0x3  }
0x17d: {  	[tilespmem:s16+$0xFFFFFC70] =	vst v1  }
0x17e: {  	v1 =	vld.idx.msk [tilespmem:v52+s2+$0x0], $0xffff  }
0x17f: {  	v53 =	vor.u32 $0x2, v0;
	_ =	sdelay $0x3  }
0x180: {  	[tilespmem:s16+$0xFFFFFCF0] =	vst v1  }
0x181: {  	v1 =	vld.idx.msk [tilespmem:v53+s2+$0x0], $0xffff  }
0x182: {  	v54 =	vor.u32 $0x3, v0;
	_ =	sdelay $0x3  }
0x183: {  	[tilespmem:s16+$0xFFFFFD70] =	vst v1  }
0x184: {  	v1 =	vld.idx.msk [tilespmem:v54+s2+$0x0], $0xffff  }
0x185: {  	v55 =	vor.u32 $0x4, v0;
	_ =	sdelay $0x3  }
0x186: {  	[tilespmem:s16+$0xFFFFFDF0] =	vst v1  }
0x187: {  	v1 =	vld.idx.msk [tilespmem:v55+s2+$0x0], $0xffff  }
0x188: {  	v56 =	vor.u32 $0x5, v0;
	_ =	sdelay $0x3  }
0x189: {  	[tilespmem:s16+$0xFFFFFE70] =	vst v1  }
0x18a: {  	v1 =	vld.idx.msk [tilespmem:v56+s2+$0x0], $0xffff  }
0x18b: {  	v57 =	vor.u32 $0x6, v0;
	_ =	sdelay $0x3  }
0x18c: {  	[tilespmem:s16+$0xFFFFFEF0] =	vst v1  }
0x18d: {  	v1 =	vld.idx.msk [tilespmem:v57+s2+$0x0], $0xffff  }
0x18e: {  	v0 =	vor.u32 $0x7, v0;
	_ =	sdelay $0x3  }
0x18f: {  	[tilespmem:s16+$0xFFFFFF70] =	vst v1  }
0x190: {  	v0 =	vld.idx.msk [tilespmem:v0+s2+$0x0], $0xffff;
	_ =	sdelay $0x4  }
0x191: {  	[tilespmem:s16+$0xFFFFFFF0] =	vst v0  }
0x192: {  	v0 =	vld [tilespmem:s17+$0x0];
	_ =	sdelay $0x4  }
0x193: {  	v0 =	vshll.u32 v0, $0x3;
	_ =	sdelay $0x4  }
0x194: {  	v1 =	vld.idx.msk [tilespmem:v0+s2+$0x0], $0xffff  }
0x195: {  	v58 =	vor.u32 $0x1, v0;
	_ =	sdelay $0x3  }
0x196: {  	[tilespmem:s16+$0xFFFFFC80] =	vst v1  }
0x197: {  	v1 =	vld.idx.msk [tilespmem:v58+s2+$0x0], $0xffff  }
0x198: {  	v59 =	vor.u32 $0x2, v0;
	_ =	sdelay $0x3  }
0x199: {  	[tilespmem:s16+$0xFFFFFD00] =	vst v1  }
0x19a: {  	v1 =	vld.idx.msk [tilespmem:v59+s2+$0x0], $0xffff  }
0x19b: {  	v60 =	vor.u32 $0x3, v0;
	_ =	sdelay $0x3  }
0x19c: {  	[tilespmem:s16+$0xFFFFFD80] =	vst v1  }
0x19d: {  	v1 =	vld.idx.msk [tilespmem:v60+s2+$0x0], $0xffff  }
0x19e: {  	v61 =	vor.u32 $0x4, v0;
	_ =	sdelay $0x3  }
0x19f: {  	[tilespmem:s16+$0xFFFFFE00] =	vst v1  }
0x1a0: {  	v1 =	vld.idx.msk [tilespmem:v61+s2+$0x0], $0xffff  }
0x1a1: {  	v62 =	vor.u32 $0x5, v0;
	_ =	sdelay $0x3  }
0x1a2: {  	[tilespmem:s16+$0xFFFFFE80] =	vst v1  }
0x1a3: {  	v1 =	vld.idx.msk [tilespmem:v62+s2+$0x0], $0xffff  }
0x1a4: {  	v63 =	vor.u32 $0x6, v0;
	_ =	sdelay $0x3  }
0x1a5: {  	[tilespmem:s16+$0xFFFFFF00] =	vst v1  }
0x1a6: {  	v1 =	vld.idx.msk [tilespmem:v63+s2+$0x0], $0xffff  }
0x1a7: {  	v0 =	vor.u32 $0x7, v0;
	_ =	sdelay $0x3  }
0x1a8: {  	s15 =	sadd.s32 $0x8, s15;
	[tilespmem:s16+$0xFFFFFF80] =	vst v1  }
0x1a9: {  	p0 =	slt.u32 s15, $0x38;
	v0 =	vld.idx.msk [tilespmem:v0+s2+$0x0], $0xffff  }
.Ltmp1:
0x1aa: {  	_ = 	snop;
	(pc) =	sbr.rel @p0 .LBB2_4-.Ltmp1, $2  }
0x1ab: {  	_ =	sdelay $0x2  }
0x1ac: {  	s17 =	sadd.s32 $0x80, s17;
	[tilespmem:s16+$0x0] =	vst v0;
	s16 =	sadd.s32 $0x400, s16  }
0x1ad: {  	[hbm4b:s6+s2] =	stream.linear.scatter [tilespmem:s13], [sflag:$0x1], $0x2000, $0x38;
	[tilespmem:$0x6780] =	vst v63  }
0x1ae: {  	s14 =	sadd.s32 $0x1, s14  }
0x1af: {  	_ =	swait.ge [sflag:s11], $0x2000;
	p0 =	sne.s32 s14, s7  }
.Ltmp2:
0x1b0: {  	[sflag:s11] =	ssyncset.done $0x0;
	(pc) =	sbr.rel @p0 .LBB2_1-.Ltmp2, $4  }
0x1b1: {  	[sflag:s11] =	ssyncadd.s32 $0xFFFFE000  }
0x1b2: {  	_ =	swait.ge [sflag:s11], $0x2000  }
0x1b3: {  	[sflag:s11] =	ssyncset.done $0x0  }
0x1b4: {  	[sflag:s11] =	ssyncadd.s32 $0xFFFFE000  }
0x1b5: {  	_ =	sfence.sel $0x180000  }
0x1b6: {  	[bflag:$0x0] =	sbarrier.arrive $0xFFFF  }
0x1b7: {  	p0 =	sne.s32 s0, $0x0;
	_ =	strace $0x90000047  }
0x1b8: {  	s0 =	sadd.s32 @!p0 $0x100000, s1;
	[bflag:$0x2] =	sbarrier.arrive $0xFFFF  }
0x1b9: {  	[sflag:s0] =	ssyncadd.tile.s32 @!p0 $0x1;
	_ =	shalt  }
.Lfunc_end2:
_tile_overlayer_lowered:
.L_overlay_start_2:
0x1ba: {  	(tag) =	ssettag $0x2  }
0x1bb: {  	s0 =	rddreg [dreg:$0x0];
	s2 =	stileid.u32  }
0x1bc: {  	s1 =	rddreg [dreg:$0x1];
	p0 =	sne.s32 s2, $0x0  }
0x1bd: {  	s3 =	rddreg [dreg:$0x2];
	[bflag:$0x3] =	sbarrier.arrive $0xFFFF;
	s2 =	simm.s32 @!p0 $0x1C02  }
0x1be: {  	[timem:s3], [sflag:s2] =	dma.local @!p0 [hbm:s0], s1  }
0x1bf: {  	s0 =	simm.s32 @!p0 $0x2  }
0x1c0: {  	_ =	swait.ge @!p0 [sflag:s0], s1  }
0x1c1: {  	s1 =	ssub.s32 @!p0 $0x0, s1;
	[sflag:s0] =	ssyncset.done @!p0 $0x0  }
0x1c2: {  	[sflag:s0] =	ssyncadd.s32 @!p0 s1  }
0x1c3: {  	[bflag:$0x3] =	sbarrier.arrive $0xFFFF  }
0x1c4: {  	_ =	shalt  }

</sc_bundles>
